<compile_context>
chip_gen: v7x
topology: tpu7x:2x2x1
jax: 0.10.2.dev20260603
libtpu: 0.0.44.dev20260713+nightly
codegen_flags: <defaults>
</compile_context>

<pallas_src>
import functools

import jax
import jax.numpy as jnp
import numpy as np
from jax import lax
from jax.experimental import pallas as pl
from jax.experimental.pallas import tpu as pltpu
from jax.experimental.pallas import tpu_sc as plsc

N_NODES = 50000
N_EDGES = 800000
EMBED = 30
D = 32

NW = 32
GCHUNK = 128
CH = 512
CH_ROWS = CH // GCHUNK
NSLOT = 2
NCHUNK = 50
PAD_E = CH * NCHUNK * NW

EPR = 4
ROWL = EPR * D
PROW = CH // EPR
BLK_E = 16000
RB = BLK_E // EPR
G = N_EDGES // BLK_E


_SEG = np.arange(128) // 32
_BLOCKMASK = np.asarray(_SEG[:, None] == _SEG[None, :], np.float32)
_SELM = np.asarray(_SEG[:, None] == np.arange(4)[None, :], np.float32)


def _sc_gather_mul(table, src2d, dst2d):
    mesh = plsc.VectorSubcoreMesh(core_axis_name="c", subcore_axis_name="s")

    @functools.partial(
        pl.kernel,
        mesh=mesh,
        compiler_params=pltpu.CompilerParams(use_tc_tiling_on_sc=False),
        out_type=jax.ShapeDtypeStruct((PAD_E // EPR, ROWL), jnp.bfloat16),
        scratch_types=(
            [pltpu.VMEM((NSLOT, CH_ROWS, GCHUNK), jnp.int32)] * 2
            + [pltpu.VMEM((CH, D), jnp.bfloat16)] * (2 * NSLOT)
            + [pltpu.VMEM((PROW, ROWL), jnp.bfloat16)] * NSLOT
            + [pltpu.SemaphoreType.DMA] * (2 * NSLOT)
        ),
    )
    def k(table_hbm, src_hbm, dst_hbm, out_hbm, sidx, didx, *bufs):
        wid = lax.axis_index("s") * 2 + lax.axis_index("c")
        cbase = wid * NCHUNK
        srows = bufs[0:NSLOT]
        drows = bufs[NSLOT:2 * NSLOT]
        pbuf = bufs[2 * NSLOT:3 * NSLOT]
        sg = bufs[3 * NSLOT:4 * NSLOT]
        sw = bufs[4 * NSLOT:5 * NSLOT]

        def issue(c, slot):
            crow = (cbase + c) * CH_ROWS
            pltpu.sync_copy(src_hbm.at[pl.ds(crow, CH_ROWS)], sidx.at[slot])
            pltpu.sync_copy(dst_hbm.at[pl.ds(crow, CH_ROWS)], didx.at[slot])
            for j in range(CH_ROWS):
                pltpu.async_copy(table_hbm.at[sidx.at[slot, j]],
                                 srows[slot].at[pl.ds(j * GCHUNK, GCHUNK)],
                                 sg[slot])
                pltpu.async_copy(table_hbm.at[didx.at[slot, j]],
                                 drows[slot].at[pl.ds(j * GCHUNK, GCHUNK)],
                                 sg[slot])

        def wait_gathers(slot):
            for j in range(CH_ROWS):
                pltpu.make_async_copy(
                    table_hbm.at[sidx.at[slot, j]],
                    srows[slot].at[pl.ds(j * GCHUNK, GCHUNK)], sg[slot]).wait()
                pltpu.make_async_copy(
                    table_hbm.at[didx.at[slot, j]],
                    drows[slot].at[pl.ds(j * GCHUNK, GCHUNK)], sg[slot]).wait()

        def drain_wb(slot):
            pltpu.make_async_copy(
                pbuf[slot], out_hbm.at[pl.ds(0, PROW)], sw[slot]).wait()

        def step(c, slot):
            nc = c + (NSLOT - 1)
            nslot = (slot + NSLOT - 1) % NSLOT

            @pl.when(nc < NCHUNK)
            def _():
                @pl.when(nc >= NSLOT)
                def _():
                    drain_wb(nslot)

                issue(nc, nslot)

            wait_gathers(slot)
            sr, dr, pb = srows[slot], drows[slot], pbuf[slot]

            def mul_body(m, c2):
                for u in range(EPR):
                    e_sl = (m * EPR + u, pl.ds(0, D))
                    pb[m, pl.ds(u * D, D)] = sr[e_sl] * dr[e_sl]
                return c2

            lax.fori_loop(0, PROW, mul_body, 0, unroll=False)
            rbase = (cbase + c) * PROW
            pltpu.async_copy(pb, out_hbm.at[pl.ds(rbase, PROW)], sw[slot])

        for p in range(NSLOT - 1):
            issue(p, p)

        def ring_body(i, carry):
            for p in range(NSLOT):
                step(NSLOT * i + p, p)
            return carry

        lax.fori_loop(0, NCHUNK // NSLOT, ring_body, 0, unroll=False)
        for p in range(NSLOT):
            drain_wb(p)

    return k(table, src2d, dst2d)


def _tc_mlp_loss(x128, labr, w1big, b1big, wbig, selm, carr):

    def body(x_ref, lab_ref, w1_ref, b1_ref, w_ref, sel_ref, c_ref, acc_ref):
        i = pl.program_id(0)
        xb = x_ref[...].astype(jnp.float32)
        h = jnp.dot(xb, w1_ref[...], preferred_element_type=jnp.float32)
        h = jnp.maximum(h + b1_ref[...], 0.0)
        s = h * w_ref[...]
        d = jnp.dot(s, sel_ref[...],
                    preferred_element_type=jnp.float32) + c_ref[...]
        t = 1.0 / (1.0 + jnp.exp(-d))
        y = jnp.log(jnp.exp(t) + jnp.exp(1.0 - t))
        lf = lab_ref[0]
        sl = t + lf * (1.0 - 2.0 * t)
        part = jnp.sum(y - sl).reshape(1, 1)

        @pl.when(i == 0)
        def _():
            acc_ref[...] = jnp.zeros((1, 1), jnp.float32)

        acc_ref[...] += part

    return pl.pallas_call(
        body,
        grid=(G,),
        in_specs=[
            pl.BlockSpec((RB, ROWL), lambda i: (i, 0)),
            pl.BlockSpec((1, RB, EPR), lambda i: (i, 0, 0)),
            pl.BlockSpec((ROWL, ROWL), lambda i: (0, 0)),
            pl.BlockSpec((1, ROWL), lambda i: (0, 0)),
            pl.BlockSpec((1, ROWL), lambda i: (0, 0)),
            pl.BlockSpec((ROWL, EPR), lambda i: (0, 0)),
            pl.BlockSpec((1, 1), lambda i: (0, 0)),
        ],
        out_specs=pl.BlockSpec((1, 1), lambda i: (0, 0)),
        out_shape=jax.ShapeDtypeStruct((1, 1), jnp.float32),
    )(x128, labr, w1big, b1big, wbig, selm, carr)


def kernel(edges, labels, word_embeddings, W1, b1, W2, b2):
    pad = PAD_E - N_EDGES
    src2d = jnp.pad(edges[:, 0].astype(jnp.int32),
                    (0, pad)).reshape(PAD_E // GCHUNK, GCHUNK)
    dst2d = jnp.pad(edges[:, 1].astype(jnp.int32),
                    (0, pad)).reshape(PAD_E // GCHUNK, GCHUNK)
    table = jnp.pad(word_embeddings.astype(jnp.float32),
                    ((0, 0), (0, D - EMBED))).astype(jnp.bfloat16)

    w1p = jnp.pad(W1.astype(jnp.float32), ((0, D - EMBED), (0, D - EMBED)))
    w1big = jnp.tile(w1p, (EPR, EPR)) * _BLOCKMASK
    b1big = jnp.tile(jnp.pad(b1.astype(jnp.float32), (0, D - EMBED)),
                     EPR).reshape(1, ROWL)
    wbig = jnp.tile(jnp.pad((W2[:, 0] - W2[:, 1]).astype(jnp.float32),
                            (0, D - EMBED)), EPR).reshape(1, ROWL)
    selm = jnp.asarray(_SELM)
    carr = (b2[0] - b2[1]).astype(jnp.float32).reshape(1, 1)
    labr = labels.astype(jnp.float32).reshape(G, RB, EPR)

    x128 = _sc_gather_mul(table, src2d, dst2d)

    acc = _tc_mlp_loss(x128, labr, w1big, b1big, wbig, selm, carr)
    return (acc[0, 0] / jnp.float32(N_EDGES)).astype(jnp.float32)

# --- scband reference (transcript-rebuilt; emitter-appended) ---
"""Pipeline reference for scband-deep-walk-16200616640516 (READ-ONLY COPY).

The authoritative reference and input builder live on the scoring server;
editing this copy changes nothing except your own understanding.
"""

import jax, jax.numpy as jnp
import numpy as np

N_NODES = 50000
N_EDGES = 800000
EMBED = 30


def setup_inputs(seed: int = 0) -> dict:
    key = jax.random.key(seed)
    k1, k2, k3, k4, k5, k6, k7 = jax.random.split(key, 7)
    edges = jax.random.randint(k1, (N_EDGES, 2), 0, N_NODES, dtype=jnp.int64)
    labels = jax.random.randint(k2, (N_EDGES,), 0, 2, dtype=jnp.int64)
    word_embeddings = jax.random.normal(k3, (N_NODES, EMBED), dtype=jnp.float32)
    # LineNetwork params: Linear(embed->embed) -> ReLU -> Linear(embed->2)
    W1 = jax.random.normal(k4, (EMBED, EMBED), dtype=jnp.float32) * (1.0 / np.sqrt(EMBED))
    b1 = jax.random.normal(k5, (EMBED,), dtype=jnp.float32) * 0.01
    W2 = jax.random.normal(k6, (EMBED, 2), dtype=jnp.float32) * (1.0 / np.sqrt(EMBED))
    b2 = jax.random.normal(k7, (2,), dtype=jnp.float32) * 0.01
    return {"edges": edges, "labels": labels, "word_embeddings": word_embeddings,
            "W1": W1, "b1": b1, "W2": W2, "b2": b2}


def reference(edges, labels, word_embeddings, W1, b1, W2, b2):
    # edges: [B, 2] -> permute to [2, B]
    e = edges.T
    src_nodes = e[0]
    dst_nodes = e[1]
    # index_select -> gather rows from embedding table
    src_embeddings = jnp.take(word_embeddings, src_nodes, axis=0)
    dst_embeddings = jnp.take(word_embeddings, dst_nodes, axis=0)
    edge_embeddings = src_embeddings * dst_embeddings
    # LineNetwork forward
    h = jax.nn.relu(edge_embeddings @ W1 + b1)
    logits = h @ W2 + b2
    # module applies Softmax, then nn.CrossEntropyLoss (which applies log_softmax again)
    output = jax.nn.softmax(logits, axis=-1)
    logp = jax.nn.log_softmax(output, axis=-1)
    loss = -jnp.mean(jnp.take_along_axis(logp, labels[:, None], axis=1))
    return loss

if __name__ == "__main__":
    import jax
    _d = setup_inputs()
    print(jax.jit(kernel)(*tuple(_d.values())))

</pallas_src>

<mosaic_0001>
#map = affine_map<(d0, d1) -> (0, 0)>
module attributes {stable_mosaic.version = 14 : i64} {
  func.func @k(%arg0: i32, %arg1: i32, %arg2: memref<50000x32xbf16, #tpu.memory_space<hbm>>, %arg3: memref<6400x128xi32, #tpu.memory_space<hbm>>, %arg4: memref<6400x128xi32, #tpu.memory_space<hbm>>, %arg5: memref<204800x128xbf16, #tpu.memory_space<hbm>>, %arg6: memref<2x4x128xi32, #tpu.memory_space<vmem>>, %arg7: memref<2x4x128xi32, #tpu.memory_space<vmem>>, %arg8: memref<512x32xbf16, #tpu.memory_space<vmem>>, %arg9: memref<512x32xbf16, #tpu.memory_space<vmem>>, %arg10: memref<512x32xbf16, #tpu.memory_space<vmem>>, %arg11: memref<512x32xbf16, #tpu.memory_space<vmem>>, %arg12: memref<128x128xbf16, #tpu.memory_space<vmem>>, %arg13: memref<128x128xbf16, #tpu.memory_space<vmem>>, %arg14: memref<!tpu.dma_semaphore, #tpu.memory_space<semaphore_mem>>, %arg15: memref<!tpu.dma_semaphore, #tpu.memory_space<semaphore_mem>>, %arg16: memref<!tpu.dma_semaphore, #tpu.memory_space<semaphore_mem>>, %arg17: memref<!tpu.dma_semaphore, #tpu.memory_space<semaphore_mem>>) attributes {dimension_semantics = [#tpu.dimension_semantics<core_parallel>, #tpu.dimension_semantics<subcore_parallel>], iteration_bounds = array<i64: 2, 16>, scalar_prefetch = 0 : i64, scratch_operands = 12 : i64, tpu.core_type = #tpu.core_type<sc_vector_subcore>, window_params = [{transform_indices = #map}, {transform_indices = #map}, {transform_indices = #map}, {transform_indices = #map}]} {
    %mul3A = arith.constant 2 : i32
    %mul3A_0 = arith.muli %arg1, %mul3A : i32
    %add3A = arith.addi %mul3A_0, %arg0 : i32
    %mul3A_1 = arith.constant 50 : i32
    %mul3A_2 = arith.muli %add3A, %mul3A_1 : i32
    %add3A_3 = arith.constant 0 : i32
    %add3A_4 = arith.addi %mul3A_2, %add3A_3 : i32
    %mul3A_5 = arith.constant 4 : i32
    %mul3A_6 = arith.muli %add3A_4, %mul3A_5 : i32
    %run_scoped3A = arith.constant 0 : i32
    "tpu.region"() ({
      %run_scoped3A_111 = tpu.sem_alloc : memref<!tpu.dma_semaphore, #tpu.memory_space<semaphore_mem>>
      %dma_start3A_112 = arith.constant 0 : i32
      %dma_start3A_113 = arith.constant 0 : i32
      %dma_start3A_114 = tpu.memref_slice %arg6[%run_scoped3A, %dma_start3A_112, %dma_start3A_113] : memref<2x4x128xi32, #tpu.memory_space<vmem>> -> memref<1x4x128xi32, #tpu.memory_space<vmem>>
      %dma_start3A_115 = tpu.memref_squeeze %dma_start3A_114 : memref<1x4x128xi32, #tpu.memory_space<vmem>> -> memref<4x128xi32, #tpu.memory_space<vmem>>
      %dma_start3A_116 = arith.constant 0 : i32
      %dma_start3A_117 = tpu.memref_slice %arg3[%mul3A_6, %dma_start3A_116] : memref<6400x128xi32, #tpu.memory_space<hbm>> -> memref<4x128xi32, #tpu.memory_space<hbm>>
      %dma_start3A_118 = arith.constant 0 : i32
      %dma_start3A_119 = arith.constant 0 : i32
      %dma_start3A_120 = tpu.memref_slice %arg6[%run_scoped3A, %dma_start3A_118, %dma_start3A_119] : memref<2x4x128xi32, #tpu.memory_space<vmem>> -> memref<1x4x128xi32, #tpu.memory_space<vmem>>
      %dma_start3A_121 = tpu.memref_squeeze %dma_start3A_120 : memref<1x4x128xi32, #tpu.memory_space<vmem>> -> memref<4x128xi32, #tpu.memory_space<vmem>>
      %dma_start3A_122 = arith.constant 0 : i32
      %dma_start3A_123 = tpu.memref_slice %arg3[%mul3A_6, %dma_start3A_122] : memref<6400x128xi32, #tpu.memory_space<hbm>> -> memref<4x128xi32, #tpu.memory_space<hbm>>
      tpu.enqueue_dma source(%dma_start3A_123 : memref<4x128xi32, #tpu.memory_space<hbm>>) target(%dma_start3A_121 : memref<4x128xi32, #tpu.memory_space<vmem>>) target_semaphore(%run_scoped3A_111 : memref<!tpu.dma_semaphore, #tpu.memory_space<semaphore_mem>>)
      %dma_wait3A_124 = arith.constant 0 : i32
      %dma_wait3A_125 = arith.constant 0 : i32
      %dma_wait3A_126 = tpu.memref_slice %arg6[%run_scoped3A, %dma_wait3A_124, %dma_wait3A_125] : memref<2x4x128xi32, #tpu.memory_space<vmem>> -> memref<1x4x128xi32, #tpu.memory_space<vmem>>
      %dma_wait3A_127 = tpu.memref_squeeze %dma_wait3A_126 : memref<1x4x128xi32, #tpu.memory_space<vmem>> -> memref<4x128xi32, #tpu.memory_space<vmem>>
      %dma_wait3A_128 = arith.constant 0 : i32
      %dma_wait3A_129 = tpu.memref_slice %arg3[%mul3A_6, %dma_wait3A_128] : memref<6400x128xi32, #tpu.memory_space<hbm>> -> memref<4x128xi32, #tpu.memory_space<hbm>>
      %dma_wait3A_130 = arith.constant 0 : i32
      %dma_wait3A_131 = arith.constant 0 : i32
      %dma_wait3A_132 = tpu.memref_slice %arg6[%run_scoped3A, %dma_wait3A_130, %dma_wait3A_131] : memref<2x4x128xi32, #tpu.memory_space<vmem>> -> memref<1x4x128xi32, #tpu.memory_space<vmem>>
      %dma_wait3A_133 = tpu.memref_squeeze %dma_wait3A_132 : memref<1x4x128xi32, #tpu.memory_space<vmem>> -> memref<4x128xi32, #tpu.memory_space<vmem>>
      %dma_wait3A_134 = arith.constant 0 : i32
      %dma_wait3A_135 = tpu.memref_slice %arg3[%mul3A_6, %dma_wait3A_134] : memref<6400x128xi32, #tpu.memory_space<hbm>> -> memref<4x128xi32, #tpu.memory_space<hbm>>
      tpu.wait_dma2 semaphore(%run_scoped3A_111 : memref<!tpu.dma_semaphore, #tpu.memory_space<semaphore_mem>>) src(%dma_wait3A_135 : memref<4x128xi32, #tpu.memory_space<hbm>>) dst(%dma_wait3A_133 : memref<4x128xi32, #tpu.memory_space<vmem>>)
      tpu.yield
    }) : () -> ()
    %run_scoped3A_7 = arith.constant 0 : i32
    "tpu.region"() ({
      %run_scoped3A_111 = tpu.sem_alloc : memref<!tpu.dma_semaphore, #tpu.memory_space<semaphore_mem>>
      %dma_start3A_112 = arith.constant 0 : i32
      %dma_start3A_113 = arith.constant 0 : i32
      %dma_start3A_114 = tpu.memref_slice %arg7[%run_scoped3A_7, %dma_start3A_112, %dma_start3A_113] : memref<2x4x128xi32, #tpu.memory_space<vmem>> -> memref<1x4x128xi32, #tpu.memory_space<vmem>>
      %dma_start3A_115 = tpu.memref_squeeze %dma_start3A_114 : memref<1x4x128xi32, #tpu.memory_space<vmem>> -> memref<4x128xi32, #tpu.memory_space<vmem>>
      %dma_start3A_116 = arith.constant 0 : i32
      %dma_start3A_117 = tpu.memref_slice %arg4[%mul3A_6, %dma_start3A_116] : memref<6400x128xi32, #tpu.memory_space<hbm>> -> memref<4x128xi32, #tpu.memory_space<hbm>>
      %dma_start3A_118 = arith.constant 0 : i32
      %dma_start3A_119 = arith.constant 0 : i32
      %dma_start3A_120 = tpu.memref_slice %arg7[%run_scoped3A_7, %dma_start3A_118, %dma_start3A_119] : memref<2x4x128xi32, #tpu.memory_space<vmem>> -> memref<1x4x128xi32, #tpu.memory_space<vmem>>
      %dma_start3A_121 = tpu.memref_squeeze %dma_start3A_120 : memref<1x4x128xi32, #tpu.memory_space<vmem>> -> memref<4x128xi32, #tpu.memory_space<vmem>>
      %dma_start3A_122 = arith.constant 0 : i32
      %dma_start3A_123 = tpu.memref_slice %arg4[%mul3A_6, %dma_start3A_122] : memref<6400x128xi32, #tpu.memory_space<hbm>> -> memref<4x128xi32, #tpu.memory_space<hbm>>
      tpu.enqueue_dma source(%dma_start3A_123 : memref<4x128xi32, #tpu.memory_space<hbm>>) target(%dma_start3A_121 : memref<4x128xi32, #tpu.memory_space<vmem>>) target_semaphore(%run_scoped3A_111 : memref<!tpu.dma_semaphore, #tpu.memory_space<semaphore_mem>>)
      %dma_wait3A_124 = arith.constant 0 : i32
      %dma_wait3A_125 = arith.constant 0 : i32
      %dma_wait3A_126 = tpu.memref_slice %arg7[%run_scoped3A_7, %dma_wait3A_124, %dma_wait3A_125] : memref<2x4x128xi32, #tpu.memory_space<vmem>> -> memref<1x4x128xi32, #tpu.memory_space<vmem>>
      %dma_wait3A_127 = tpu.memref_squeeze %dma_wait3A_126 : memref<1x4x128xi32, #tpu.memory_space<vmem>> -> memref<4x128xi32, #tpu.memory_space<vmem>>
      %dma_wait3A_128 = arith.constant 0 : i32
      %dma_wait3A_129 = tpu.memref_slice %arg4[%mul3A_6, %dma_wait3A_128] : memref<6400x128xi32, #tpu.memory_space<hbm>> -> memref<4x128xi32, #tpu.memory_space<hbm>>
      %dma_wait3A_130 = arith.constant 0 : i32
      %dma_wait3A_131 = arith.constant 0 : i32
      %dma_wait3A_132 = tpu.memref_slice %arg7[%run_scoped3A_7, %dma_wait3A_130, %dma_wait3A_131] : memref<2x4x128xi32, #tpu.memory_space<vmem>> -> memref<1x4x128xi32, #tpu.memory_space<vmem>>
      %dma_wait3A_133 = tpu.memref_squeeze %dma_wait3A_132 : memref<1x4x128xi32, #tpu.memory_space<vmem>> -> memref<4x128xi32, #tpu.memory_space<vmem>>
      %dma_wait3A_134 = arith.constant 0 : i32
      %dma_wait3A_135 = tpu.memref_slice %arg4[%mul3A_6, %dma_wait3A_134] : memref<6400x128xi32, #tpu.memory_space<hbm>> -> memref<4x128xi32, #tpu.memory_space<hbm>>
      tpu.wait_dma2 semaphore(%run_scoped3A_111 : memref<!tpu.dma_semaphore, #tpu.memory_space<semaphore_mem>>) src(%dma_wait3A_135 : memref<4x128xi32, #tpu.memory_space<hbm>>) dst(%dma_wait3A_133 : memref<4x128xi32, #tpu.memory_space<vmem>>)
      tpu.yield
    }) : () -> ()
    %dma_start3A = arith.constant 0 : i32
    %dma_start3A_8 = arith.constant 0 : i32
    %dma_start3A_9 = arith.constant 0 : i32
    %dma_start3A_10 = arith.constant 0 : i32
    %dma_start3A_11 = tpu.memref_slice %arg8[%dma_start3A_9, %dma_start3A_10] : memref<512x32xbf16, #tpu.memory_space<vmem>> -> memref<128x32xbf16, #tpu.memory_space<vmem>>
    %dma_start3A_12 = arith.constant 0 : i32
    %dma_start3A_13 = tpu.memref_slice %arg6[%dma_start3A, %dma_start3A_8, %dma_start3A_12] : memref<2x4x128xi32, #tpu.memory_space<vmem>> -> memref<1x1x128xi32, #tpu.memory_space<vmem>>
    %dma_start3A_14 = tpu.memref_squeeze %dma_start3A_13 : memref<1x1x128xi32, #tpu.memory_space<vmem>> -> memref<128xi32, #tpu.memory_space<vmem>>
    %dma_start3A_15 = arith.constant 0 : i32
    %dma_start3A_16 = arith.constant 0 : i32
    %dma_start3A_17 = tpu.memref_slice %arg2[%dma_start3A_15, %dma_start3A_16] : memref<50000x32xbf16, #tpu.memory_space<hbm>> -> memref<50000x32xbf16, #tpu.memory_space<hbm>>
    tpu.enqueue_indirect_dma source(%dma_start3A_17 : memref<50000x32xbf16, #tpu.memory_space<hbm>>) target(%dma_start3A_11 : memref<128x32xbf16, #tpu.memory_space<vmem>>) offsets(%dma_start3A_14 : memref<128xi32, #tpu.memory_space<vmem>>) semaphore(%arg14 : memref<!tpu.dma_semaphore, #tpu.memory_space<semaphore_mem>>)
    %dma_start3A_18 = arith.constant 0 : i32
    %dma_start3A_19 = arith.constant 0 : i32
    %dma_start3A_20 = arith.constant 0 : i32
    %dma_start3A_21 = arith.constant 0 : i32
    %dma_start3A_22 = tpu.memref_slice %arg10[%dma_start3A_20, %dma_start3A_21] : memref<512x32xbf16, #tpu.memory_space<vmem>> -> memref<128x32xbf16, #tpu.memory_space<vmem>>
    %dma_start3A_23 = arith.constant 0 : i32
    %dma_start3A_24 = tpu.memref_slice %arg7[%dma_start3A_18, %dma_start3A_19, %dma_start3A_23] : memref<2x4x128xi32, #tpu.memory_space<vmem>> -> memref<1x1x128xi32, #tpu.memory_space<vmem>>
    %dma_start3A_25 = tpu.memref_squeeze %dma_start3A_24 : memref<1x1x128xi32, #tpu.memory_space<vmem>> -> memref<128xi32, #tpu.memory_space<vmem>>
    %dma_start3A_26 = arith.constant 0 : i32
    %dma_start3A_27 = arith.constant 0 : i32
    %dma_start3A_28 = tpu.memref_slice %arg2[%dma_start3A_26, %dma_start3A_27] : memref<50000x32xbf16, #tpu.memory_space<hbm>> -> memref<50000x32xbf16, #tpu.memory_space<hbm>>
    tpu.enqueue_indirect_dma source(%dma_start3A_28 : memref<50000x32xbf16, #tpu.memory_space<hbm>>) target(%dma_start3A_22 : memref<128x32xbf16, #tpu.memory_space<vmem>>) offsets(%dma_start3A_25 : memref<128xi32, #tpu.memory_space<vmem>>) semaphore(%arg14 : memref<!tpu.dma_semaphore, #tpu.memory_space<semaphore_mem>>)
    %dma_start3A_29 = arith.constant 0 : i32
    %dma_start3A_30 = arith.constant 1 : i32
    %dma_start3A_31 = arith.constant 128 : i32
    %dma_start3A_32 = arith.constant 0 : i32
    %dma_start3A_33 = tpu.memref_slice %arg8[%dma_start3A_31, %dma_start3A_32] : memref<512x32xbf16, #tpu.memory_space<vmem>> -> memref<128x32xbf16, #tpu.memory_space<vmem>>
    %dma_start3A_34 = arith.constant 0 : i32
    %dma_start3A_35 = tpu.memref_slice %arg6[%dma_start3A_29, %dma_start3A_30, %dma_start3A_34] : memref<2x4x128xi32, #tpu.memory_space<vmem>> -> memref<1x1x128xi32, #tpu.memory_space<vmem>>
    %dma_start3A_36 = tpu.memref_squeeze %dma_start3A_35 : memref<1x1x128xi32, #tpu.memory_space<vmem>> -> memref<128xi32, #tpu.memory_space<vmem>>
    %dma_start3A_37 = arith.constant 0 : i32
    %dma_start3A_38 = arith.constant 0 : i32
    %dma_start3A_39 = tpu.memref_slice %arg2[%dma_start3A_37, %dma_start3A_38] : memref<50000x32xbf16, #tpu.memory_space<hbm>> -> memref<50000x32xbf16, #tpu.memory_space<hbm>>
    tpu.enqueue_indirect_dma source(%dma_start3A_39 : memref<50000x32xbf16, #tpu.memory_space<hbm>>) target(%dma_start3A_33 : memref<128x32xbf16, #tpu.memory_space<vmem>>) offsets(%dma_start3A_36 : memref<128xi32, #tpu.memory_space<vmem>>) semaphore(%arg14 : memref<!tpu.dma_semaphore, #tpu.memory_space<semaphore_mem>>)
    %dma_start3A_40 = arith.constant 0 : i32
    %dma_start3A_41 = arith.constant 1 : i32
    %dma_start3A_42 = arith.constant 128 : i32
    %dma_start3A_43 = arith.constant 0 : i32
    %dma_start3A_44 = tpu.memref_slice %arg10[%dma_start3A_42, %dma_start3A_43] : memref<512x32xbf16, #tpu.memory_space<vmem>> -> memref<128x32xbf16, #tpu.memory_space<vmem>>
    %dma_start3A_45 = arith.constant 0 : i32
    %dma_start3A_46 = tpu.memref_slice %arg7[%dma_start3A_40, %dma_start3A_41, %dma_start3A_45] : memref<2x4x128xi32, #tpu.memory_space<vmem>> -> memref<1x1x128xi32, #tpu.memory_space<vmem>>
    %dma_start3A_47 = tpu.memref_squeeze %dma_start3A_46 : memref<1x1x128xi32, #tpu.memory_space<vmem>> -> memref<128xi32, #tpu.memory_space<vmem>>
    %dma_start3A_48 = arith.constant 0 : i32
    %dma_start3A_49 = arith.constant 0 : i32
    %dma_start3A_50 = tpu.memref_slice %arg2[%dma_start3A_48, %dma_start3A_49] : memref<50000x32xbf16, #tpu.memory_space<hbm>> -> memref<50000x32xbf16, #tpu.memory_space<hbm>>
    tpu.enqueue_indirect_dma source(%dma_start3A_50 : memref<50000x32xbf16, #tpu.memory_space<hbm>>) target(%dma_start3A_44 : memref<128x32xbf16, #tpu.memory_space<vmem>>) offsets(%dma_start3A_47 : memref<128xi32, #tpu.memory_space<vmem>>) semaphore(%arg14 : memref<!tpu.dma_semaphore, #tpu.memory_space<semaphore_mem>>)
    %dma_start3A_51 = arith.constant 0 : i32
    %dma_start3A_52 = arith.constant 2 : i32
    %dma_start3A_53 = arith.constant 256 : i32
    %dma_start3A_54 = arith.constant 0 : i32
    %dma_start3A_55 = tpu.memref_slice %arg8[%dma_start3A_53, %dma_start3A_54] : memref<512x32xbf16, #tpu.memory_space<vmem>> -> memref<128x32xbf16, #tpu.memory_space<vmem>>
    %dma_start3A_56 = arith.constant 0 : i32
    %dma_start3A_57 = tpu.memref_slice %arg6[%dma_start3A_51, %dma_start3A_52, %dma_start3A_56] : memref<2x4x128xi32, #tpu.memory_space<vmem>> -> memref<1x1x128xi32, #tpu.memory_space<vmem>>
    %dma_start3A_58 = tpu.memref_squeeze %dma_start3A_57 : memref<1x1x128xi32, #tpu.memory_space<vmem>> -> memref<128xi32, #tpu.memory_space<vmem>>
    %dma_start3A_59 = arith.constant 0 : i32
    %dma_start3A_60 = arith.constant 0 : i32
    %dma_start3A_61 = tpu.memref_slice %arg2[%dma_start3A_59, %dma_start3A_60] : memref<50000x32xbf16, #tpu.memory_space<hbm>> -> memref<50000x32xbf16, #tpu.memory_space<hbm>>
    tpu.enqueue_indirect_dma source(%dma_start3A_61 : memref<50000x32xbf16, #tpu.memory_space<hbm>>) target(%dma_start3A_55 : memref<128x32xbf16, #tpu.memory_space<vmem>>) offsets(%dma_start3A_58 : memref<128xi32, #tpu.memory_space<vmem>>) semaphore(%arg14 : memref<!tpu.dma_semaphore, #tpu.memory_space<semaphore_mem>>)
    %dma_start3A_62 = arith.constant 0 : i32
    %dma_start3A_63 = arith.constant 2 : i32
    %dma_start3A_64 = arith.constant 256 : i32
    %dma_start3A_65 = arith.constant 0 : i32
    %dma_start3A_66 = tpu.memref_slice %arg10[%dma_start3A_64, %dma_start3A_65] : memref<512x32xbf16, #tpu.memory_space<vmem>> -> memref<128x32xbf16, #tpu.memory_space<vmem>>
    %dma_start3A_67 = arith.constant 0 : i32
    %dma_start3A_68 = tpu.memref_slice %arg7[%dma_start3A_62, %dma_start3A_63, %dma_start3A_67] : memref<2x4x128xi32, #tpu.memory_space<vmem>> -> memref<1x1x128xi32, #tpu.memory_space<vmem>>
    %dma_start3A_69 = tpu.memref_squeeze %dma_start3A_68 : memref<1x1x128xi32, #tpu.memory_space<vmem>> -> memref<128xi32, #tpu.memory_space<vmem>>
    %dma_start3A_70 = arith.constant 0 : i32
    %dma_start3A_71 = arith.constant 0 : i32
    %dma_start3A_72 = tpu.memref_slice %arg2[%dma_start3A_70, %dma_start3A_71] : memref<50000x32xbf16, #tpu.memory_space<hbm>> -> memref<50000x32xbf16, #tpu.memory_space<hbm>>
    tpu.enqueue_indirect_dma source(%dma_start3A_72 : memref<50000x32xbf16, #tpu.memory_space<hbm>>) target(%dma_start3A_66 : memref<128x32xbf16, #tpu.memory_space<vmem>>) offsets(%dma_start3A_69 : memref<128xi32, #tpu.memory_space<vmem>>) semaphore(%arg14 : memref<!tpu.dma_semaphore, #tpu.memory_space<semaphore_mem>>)
    %dma_start3A_73 = arith.constant 0 : i32
    %dma_start3A_74 = arith.constant 3 : i32
    %dma_start3A_75 = arith.constant 384 : i32
    %dma_start3A_76 = arith.constant 0 : i32
    %dma_start3A_77 = tpu.memref_slice %arg8[%dma_start3A_75, %dma_start3A_76] : memref<512x32xbf16, #tpu.memory_space<vmem>> -> memref<128x32xbf16, #tpu.memory_space<vmem>>
    %dma_start3A_78 = arith.constant 0 : i32
    %dma_start3A_79 = tpu.memref_slice %arg6[%dma_start3A_73, %dma_start3A_74, %dma_start3A_78] : memref<2x4x128xi32, #tpu.memory_space<vmem>> -> memref<1x1x128xi32, #tpu.memory_space<vmem>>
    %dma_start3A_80 = tpu.memref_squeeze %dma_start3A_79 : memref<1x1x128xi32, #tpu.memory_space<vmem>> -> memref<128xi32, #tpu.memory_space<vmem>>
    %dma_start3A_81 = arith.constant 0 : i32
    %dma_start3A_82 = arith.constant 0 : i32
    %dma_start3A_83 = tpu.memref_slice %arg2[%dma_start3A_81, %dma_start3A_82] : memref<50000x32xbf16, #tpu.memory_space<hbm>> -> memref<50000x32xbf16, #tpu.memory_space<hbm>>
    tpu.enqueue_indirect_dma source(%dma_start3A_83 : memref<50000x32xbf16, #tpu.memory_space<hbm>>) target(%dma_start3A_77 : memref<128x32xbf16, #tpu.memory_space<vmem>>) offsets(%dma_start3A_80 : memref<128xi32, #tpu.memory_space<vmem>>) semaphore(%arg14 : memref<!tpu.dma_semaphore, #tpu.memory_space<semaphore_mem>>)
    %dma_start3A_84 = arith.constant 0 : i32
    %dma_start3A_85 = arith.constant 3 : i32
    %dma_start3A_86 = arith.constant 384 : i32
    %dma_start3A_87 = arith.constant 0 : i32
    %dma_start3A_88 = tpu.memref_slice %arg10[%dma_start3A_86, %dma_start3A_87] : memref<512x32xbf16, #tpu.memory_space<vmem>> -> memref<128x32xbf16, #tpu.memory_space<vmem>>
    %dma_start3A_89 = arith.constant 0 : i32
    %dma_start3A_90 = tpu.memref_slice %arg7[%dma_start3A_84, %dma_start3A_85, %dma_start3A_89] : memref<2x4x128xi32, #tpu.memory_space<vmem>> -> memref<1x1x128xi32, #tpu.memory_space<vmem>>
    %dma_start3A_91 = tpu.memref_squeeze %dma_start3A_90 : memref<1x1x128xi32, #tpu.memory_space<vmem>> -> memref<128xi32, #tpu.memory_space<vmem>>
    %dma_start3A_92 = arith.constant 0 : i32
    %dma_start3A_93 = arith.constant 0 : i32
    %dma_start3A_94 = tpu.memref_slice %arg2[%dma_start3A_92, %dma_start3A_93] : memref<50000x32xbf16, #tpu.memory_space<hbm>> -> memref<50000x32xbf16, #tpu.memory_space<hbm>>
    tpu.enqueue_indirect_dma source(%dma_start3A_94 : memref<50000x32xbf16, #tpu.memory_space<hbm>>) target(%dma_start3A_88 : memref<128x32xbf16, #tpu.memory_space<vmem>>) offsets(%dma_start3A_91 : memref<128xi32, #tpu.memory_space<vmem>>) semaphore(%arg14 : memref<!tpu.dma_semaphore, #tpu.memory_space<semaphore_mem>>)
    %scan3A = arith.constant 0 : i32
    %scan3A_95 = arith.constant 0 : i32
    %scan3A_96 = arith.constant 25 : i32
    %scan3A_97 = arith.addi %scan3A_95, %scan3A_96 : i32
    %scan3A_98 = arith.constant 1 : i32
    scf.for %scan3A_111 = %scan3A_95 to %scan3A_97 step %scan3A_98  : i32 {
      %mul3A_112 = arith.constant 2 : i32
      %mul3A_113 = arith.muli %mul3A_112, %scan3A_111 : i32
      %add3A_114 = arith.constant 0 : i32
      %add3A_115 = arith.addi %mul3A_113, %add3A_114 : i32
      %add3A_116 = arith.constant 1 : i32
      %add3A_117 = arith.addi %add3A_115, %add3A_116 : i32
      %lt3A = arith.constant 50 : i32
      %lt3A_118 = arith.cmpi slt, %add3A_117, %lt3A : i32
      %convert_element_type3A = arith.extui %lt3A_118 : i1 to i32
      %cond3A = arith.constant 0 : i32
      %cond3A_119 = arith.cmpi ne, %convert_element_type3A, %cond3A : i32
      scf.if %cond3A_119 {
        %ge3A = arith.constant 2 : i32
        %ge3A_333 = arith.cmpi sge, %add3A_117, %ge3A : i32
        %convert_element_type3A_334 = arith.extui %ge3A_333 : i1 to i32
        %cond3A_335 = arith.constant 0 : i32
        %cond3A_336 = arith.cmpi ne, %convert_element_type3A_334, %cond3A_335 : i32
        scf.if %cond3A_336 {
          %dma_wait3A_430 = arith.constant 0 : i32
          %dma_wait3A_431 = arith.constant 0 : i32
          %dma_wait3A_432 = tpu.memref_slice %arg5[%dma_wait3A_430, %dma_wait3A_431] : memref<204800x128xbf16, #tpu.memory_space<hbm>> -> memref<128x128xbf16, #tpu.memory_space<hbm>>
          %dma_wait3A_433 = arith.constant 0 : i32
          %dma_wait3A_434 = arith.constant 0 : i32
          %dma_wait3A_435 = tpu.memref_slice %arg5[%dma_wait3A_433, %dma_wait3A_434] : memref<204800x128xbf16, #tpu.memory_space<hbm>> -> memref<128x128xbf16, #tpu.memory_space<hbm>>
          tpu.wait_dma2 semaphore(%arg17 : memref<!tpu.dma_semaphore, #tpu.memory_space<semaphore_mem>>) src(%arg13 : memref<128x128xbf16, #tpu.memory_space<vmem>>) dst(%dma_wait3A_435 : memref<128x128xbf16, #tpu.memory_space<hbm>>)
        } else {
        }
        %add3A_337 = arith.addi %mul3A_2, %add3A_117 : i32
        %mul3A_338 = arith.constant 4 : i32
        %mul3A_339 = arith.muli %add3A_337, %mul3A_338 : i32
        %run_scoped3A_340 = arith.constant 1 : i32
        "tpu.region"() ({
          %run_scoped3A_430 = tpu.sem_alloc : memref<!tpu.dma_semaphore, #tpu.memory_space<semaphore_mem>>
          %dma_start3A_431 = arith.constant 0 : i32
          %dma_start3A_432 = arith.constant 0 : i32
          %dma_start3A_433 = tpu.memref_slice %arg6[%run_scoped3A_340, %dma_start3A_431, %dma_start3A_432] : memref<2x4x128xi32, #tpu.memory_space<vmem>> -> memref<1x4x128xi32, #tpu.memory_space<vmem>>
          %dma_start3A_434 = tpu.memref_squeeze %dma_start3A_433 : memref<1x4x128xi32, #tpu.memory_space<vmem>> -> memref<4x128xi32, #tpu.memory_space<vmem>>
          %dma_start3A_435 = arith.constant 0 : i32
          %dma_start3A_436 = tpu.memref_slice %arg3[%mul3A_339, %dma_start3A_435] : memref<6400x128xi32, #tpu.memory_space<hbm>> -> memref<4x128xi32, #tpu.memory_space<hbm>>
          %dma_start3A_437 = arith.constant 0 : i32
          %dma_start3A_438 = arith.constant 0 : i32
          %dma_start3A_439 = tpu.memref_slice %arg6[%run_scoped3A_340, %dma_start3A_437, %dma_start3A_438] : memref<2x4x128xi32, #tpu.memory_space<vmem>> -> memref<1x4x128xi32, #tpu.memory_space<vmem>>
          %dma_start3A_440 = tpu.memref_squeeze %dma_start3A_439 : memref<1x4x128xi32, #tpu.memory_space<vmem>> -> memref<4x128xi32, #tpu.memory_space<vmem>>
          %dma_start3A_441 = arith.constant 0 : i32
          %dma_start3A_442 = tpu.memref_slice %arg3[%mul3A_339, %dma_start3A_441] : memref<6400x128xi32, #tpu.memory_space<hbm>> -> memref<4x128xi32, #tpu.memory_space<hbm>>
          tpu.enqueue_dma source(%dma_start3A_442 : memref<4x128xi32, #tpu.memory_space<hbm>>) target(%dma_start3A_440 : memref<4x128xi32, #tpu.memory_space<vmem>>) target_semaphore(%run_scoped3A_430 : memref<!tpu.dma_semaphore, #tpu.memory_space<semaphore_mem>>)
          %dma_wait3A_443 = arith.constant 0 : i32
          %dma_wait3A_444 = arith.constant 0 : i32
          %dma_wait3A_445 = tpu.memref_slice %arg6[%run_scoped3A_340, %dma_wait3A_443, %dma_wait3A_444] : memref<2x4x128xi32, #tpu.memory_space<vmem>> -> memref<1x4x128xi32, #tpu.memory_space<vmem>>
          %dma_wait3A_446 = tpu.memref_squeeze %dma_wait3A_445 : memref<1x4x128xi32, #tpu.memory_space<vmem>> -> memref<4x128xi32, #tpu.memory_space<vmem>>
          %dma_wait3A_447 = arith.constant 0 : i32
          %dma_wait3A_448 = tpu.memref_slice %arg3[%mul3A_339, %dma_wait3A_447] : memref<6400x128xi32, #tpu.memory_space<hbm>> -> memref<4x128xi32, #tpu.memory_space<hbm>>
          %dma_wait3A_449 = arith.constant 0 : i32
          %dma_wait3A_450 = arith.constant 0 : i32
          %dma_wait3A_451 = tpu.memref_slice %arg6[%run_scoped3A_340, %dma_wait3A_449, %dma_wait3A_450] : memref<2x4x128xi32, #tpu.memory_space<vmem>> -> memref<1x4x128xi32, #tpu.memory_space<vmem>>
          %dma_wait3A_452 = tpu.memref_squeeze %dma_wait3A_451 : memref<1x4x128xi32, #tpu.memory_space<vmem>> -> memref<4x128xi32, #tpu.memory_space<vmem>>
          %dma_wait3A_453 = arith.constant 0 : i32
          %dma_wait3A_454 = tpu.memref_slice %arg3[%mul3A_339, %dma_wait3A_453] : memref<6400x128xi32, #tpu.memory_space<hbm>> -> memref<4x128xi32, #tpu.memory_space<hbm>>
          tpu.wait_dma2 semaphore(%run_scoped3A_430 : memref<!tpu.dma_semaphore, #tpu.memory_space<semaphore_mem>>) src(%dma_wait3A_454 : memref<4x128xi32, #tpu.memory_space<hbm>>) dst(%dma_wait3A_452 : memref<4x128xi32, #tpu.memory_space<vmem>>)
          tpu.yield
        }) : () -> ()
        %run_scoped3A_341 = arith.constant 1 : i32
        "tpu.region"() ({
          %run_scoped3A_430 = tpu.sem_alloc : memref<!tpu.dma_semaphore, #tpu.memory_space<semaphore_mem>>
          %dma_start3A_431 = arith.constant 0 : i32
          %dma_start3A_432 = arith.constant 0 : i32
          %dma_start3A_433 = tpu.memref_slice %arg7[%run_scoped3A_341, %dma_start3A_431, %dma_start3A_432] : memref<2x4x128xi32, #tpu.memory_space<vmem>> -> memref<1x4x128xi32, #tpu.memory_space<vmem>>
          %dma_start3A_434 = tpu.memref_squeeze %dma_start3A_433 : memref<1x4x128xi32, #tpu.memory_space<vmem>> -> memref<4x128xi32, #tpu.memory_space<vmem>>
          %dma_start3A_435 = arith.constant 0 : i32
          %dma_start3A_436 = tpu.memref_slice %arg4[%mul3A_339, %dma_start3A_435] : memref<6400x128xi32, #tpu.memory_space<hbm>> -> memref<4x128xi32, #tpu.memory_space<hbm>>
          %dma_start3A_437 = arith.constant 0 : i32
          %dma_start3A_438 = arith.constant 0 : i32
          %dma_start3A_439 = tpu.memref_slice %arg7[%run_scoped3A_341, %dma_start3A_437, %dma_start3A_438] : memref<2x4x128xi32, #tpu.memory_space<vmem>> -> memref<1x4x128xi32, #tpu.memory_space<vmem>>
          %dma_start3A_440 = tpu.memref_squeeze %dma_start3A_439 : memref<1x4x128xi32, #tpu.memory_space<vmem>> -> memref<4x128xi32, #tpu.memory_space<vmem>>
          %dma_start3A_441 = arith.constant 0 : i32
          %dma_start3A_442 = tpu.memref_slice %arg4[%mul3A_339, %dma_start3A_441] : memref<6400x128xi32, #tpu.memory_space<hbm>> -> memref<4x128xi32, #tpu.memory_space<hbm>>
          tpu.enqueue_dma source(%dma_start3A_442 : memref<4x128xi32, #tpu.memory_space<hbm>>) target(%dma_start3A_440 : memref<4x128xi32, #tpu.memory_space<vmem>>) target_semaphore(%run_scoped3A_430 : memref<!tpu.dma_semaphore, #tpu.memory_space<semaphore_mem>>)
          %dma_wait3A_443 = arith.constant 0 : i32
          %dma_wait3A_444 = arith.constant 0 : i32
          %dma_wait3A_445 = tpu.memref_slice %arg7[%run_scoped3A_341, %dma_wait3A_443, %dma_wait3A_444] : memref<2x4x128xi32, #tpu.memory_space<vmem>> -> memref<1x4x128xi32, #tpu.memory_space<vmem>>
          %dma_wait3A_446 = tpu.memref_squeeze %dma_wait3A_445 : memref<1x4x128xi32, #tpu.memory_space<vmem>> -> memref<4x128xi32, #tpu.memory_space<vmem>>
          %dma_wait3A_447 = arith.constant 0 : i32
          %dma_wait3A_448 = tpu.memref_slice %arg4[%mul3A_339, %dma_wait3A_447] : memref<6400x128xi32, #tpu.memory_space<hbm>> -> memref<4x128xi32, #tpu.memory_space<hbm>>
          %dma_wait3A_449 = arith.constant 0 : i32
          %dma_wait3A_450 = arith.constant 0 : i32
          %dma_wait3A_451 = tpu.memref_slice %arg7[%run_scoped3A_341, %dma_wait3A_449, %dma_wait3A_450] : memref<2x4x128xi32, #tpu.memory_space<vmem>> -> memref<1x4x128xi32, #tpu.memory_space<vmem>>
          %dma_wait3A_452 = tpu.memref_squeeze %dma_wait3A_451 : memref<1x4x128xi32, #tpu.memory_space<vmem>> -> memref<4x128xi32, #tpu.memory_space<vmem>>
          %dma_wait3A_453 = arith.constant 0 : i32
          %dma_wait3A_454 = tpu.memref_slice %arg4[%mul3A_339, %dma_wait3A_453] : memref<6400x128xi32, #tpu.memory_space<hbm>> -> memref<4x128xi32, #tpu.memory_space<hbm>>
          tpu.wait_dma2 semaphore(%run_scoped3A_430 : memref<!tpu.dma_semaphore, #tpu.memory_space<semaphore_mem>>) src(%dma_wait3A_454 : memref<4x128xi32, #tpu.memory_space<hbm>>) dst(%dma_wait3A_452 : memref<4x128xi32, #tpu.memory_space<vmem>>)
          tpu.yield
        }) : () -> ()
        %dma_start3A_342 = arith.constant 1 : i32
        %dma_start3A_343 = arith.constant 0 : i32
        %dma_start3A_344 = arith.constant 0 : i32
        %dma_start3A_345 = arith.constant 0 : i32
        %dma_start3A_346 = tpu.memref_slice %arg9[%dma_start3A_344, %dma_start3A_345] : memref<512x32xbf16, #tpu.memory_space<vmem>> -> memref<128x32xbf16, #tpu.memory_space<vmem>>
        %dma_start3A_347 = arith.constant 0 : i32
        %dma_start3A_348 = tpu.memref_slice %arg6[%dma_start3A_342, %dma_start3A_343, %dma_start3A_347] : memref<2x4x128xi32, #tpu.memory_space<vmem>> -> memref<1x1x128xi32, #tpu.memory_space<vmem>>
        %dma_start3A_349 = tpu.memref_squeeze %dma_start3A_348 : memref<1x1x128xi32, #tpu.memory_space<vmem>> -> memref<128xi32, #tpu.memory_space<vmem>>
        %dma_start3A_350 = arith.constant 0 : i32
        %dma_start3A_351 = arith.constant 0 : i32
        %dma_start3A_352 = tpu.memref_slice %arg2[%dma_start3A_350, %dma_start3A_351] : memref<50000x32xbf16, #tpu.memory_space<hbm>> -> memref<50000x32xbf16, #tpu.memory_space<hbm>>
        tpu.enqueue_indirect_dma source(%dma_start3A_352 : memref<50000x32xbf16, #tpu.memory_space<hbm>>) target(%dma_start3A_346 : memref<128x32xbf16, #tpu.memory_space<vmem>>) offsets(%dma_start3A_349 : memref<128xi32, #tpu.memory_space<vmem>>) semaphore(%arg15 : memref<!tpu.dma_semaphore, #tpu.memory_space<semaphore_mem>>)
        %dma_start3A_353 = arith.constant 1 : i32
        %dma_start3A_354 = arith.constant 0 : i32
        %dma_start3A_355 = arith.constant 0 : i32
        %dma_start3A_356 = arith.constant 0 : i32
        %dma_start3A_357 = tpu.memref_slice %arg11[%dma_start3A_355, %dma_start3A_356] : memref<512x32xbf16, #tpu.memory_space<vmem>> -> memref<128x32xbf16, #tpu.memory_space<vmem>>
        %dma_start3A_358 = arith.constant 0 : i32
        %dma_start3A_359 = tpu.memref_slice %arg7[%dma_start3A_353, %dma_start3A_354, %dma_start3A_358] : memref<2x4x128xi32, #tpu.memory_space<vmem>> -> memref<1x1x128xi32, #tpu.memory_space<vmem>>
        %dma_start3A_360 = tpu.memref_squeeze %dma_start3A_359 : memref<1x1x128xi32, #tpu.memory_space<vmem>> -> memref<128xi32, #tpu.memory_space<vmem>>
        %dma_start3A_361 = arith.constant 0 : i32
        %dma_start3A_362 = arith.constant 0 : i32
        %dma_start3A_363 = tpu.memref_slice %arg2[%dma_start3A_361, %dma_start3A_362] : memref<50000x32xbf16, #tpu.memory_space<hbm>> -> memref<50000x32xbf16, #tpu.memory_space<hbm>>
        tpu.enqueue_indirect_dma source(%dma_start3A_363 : memref<50000x32xbf16, #tpu.memory_space<hbm>>) target(%dma_start3A_357 : memref<128x32xbf16, #tpu.memory_space<vmem>>) offsets(%dma_start3A_360 : memref<128xi32, #tpu.memory_space<vmem>>) semaphore(%arg15 : memref<!tpu.dma_semaphore, #tpu.memory_space<semaphore_mem>>)
        %dma_start3A_364 = arith.constant 1 : i32
        %dma_start3A_365 = arith.constant 1 : i32
        %dma_start3A_366 = arith.constant 128 : i32
        %dma_start3A_367 = arith.constant 0 : i32
        %dma_start3A_368 = tpu.memref_slice %arg9[%dma_start3A_366, %dma_start3A_367] : memref<512x32xbf16, #tpu.memory_space<vmem>> -> memref<128x32xbf16, #tpu.memory_space<vmem>>
        %dma_start3A_369 = arith.constant 0 : i32
        %dma_start3A_370 = tpu.memref_slice %arg6[%dma_start3A_364, %dma_start3A_365, %dma_start3A_369] : memref<2x4x128xi32, #tpu.memory_space<vmem>> -> memref<1x1x128xi32, #tpu.memory_space<vmem>>
        %dma_start3A_371 = tpu.memref_squeeze %dma_start3A_370 : memref<1x1x128xi32, #tpu.memory_space<vmem>> -> memref<128xi32, #tpu.memory_space<vmem>>
        %dma_start3A_372 = arith.constant 0 : i32
        %dma_start3A_373 = arith.constant 0 : i32
        %dma_start3A_374 = tpu.memref_slice %arg2[%dma_start3A_372, %dma_start3A_373] : memref<50000x32xbf16, #tpu.memory_space<hbm>> -> memref<50000x32xbf16, #tpu.memory_space<hbm>>
        tpu.enqueue_indirect_dma source(%dma_start3A_374 : memref<50000x32xbf16, #tpu.memory_space<hbm>>) target(%dma_start3A_368 : memref<128x32xbf16, #tpu.memory_space<vmem>>) offsets(%dma_start3A_371 : memref<128xi32, #tpu.memory_space<vmem>>) semaphore(%arg15 : memref<!tpu.dma_semaphore, #tpu.memory_space<semaphore_mem>>)
        %dma_start3A_375 = arith.constant 1 : i32
        %dma_start3A_376 = arith.constant 1 : i32
        %dma_start3A_377 = arith.constant 128 : i32
        %dma_start3A_378 = arith.constant 0 : i32
        %dma_start3A_379 = tpu.memref_slice %arg11[%dma_start3A_377, %dma_start3A_378] : memref<512x32xbf16, #tpu.memory_space<vmem>> -> memref<128x32xbf16, #tpu.memory_space<vmem>>
        %dma_start3A_380 = arith.constant 0 : i32
        %dma_start3A_381 = tpu.memref_slice %arg7[%dma_start3A_375, %dma_start3A_376, %dma_start3A_380] : memref<2x4x128xi32, #tpu.memory_space<vmem>> -> memref<1x1x128xi32, #tpu.memory_space<vmem>>
        %dma_start3A_382 = tpu.memref_squeeze %dma_start3A_381 : memref<1x1x128xi32, #tpu.memory_space<vmem>> -> memref<128xi32, #tpu.memory_space<vmem>>
        %dma_start3A_383 = arith.constant 0 : i32
        %dma_start3A_384 = arith.constant 0 : i32
        %dma_start3A_385 = tpu.memref_slice %arg2[%dma_start3A_383, %dma_start3A_384] : memref<50000x32xbf16, #tpu.memory_space<hbm>> -> memref<50000x32xbf16, #tpu.memory_space<hbm>>
        tpu.enqueue_indirect_dma source(%dma_start3A_385 : memref<50000x32xbf16, #tpu.memory_space<hbm>>) target(%dma_start3A_379 : memref<128x32xbf16, #tpu.memory_space<vmem>>) offsets(%dma_start3A_382 : memref<128xi32, #tpu.memory_space<vmem>>) semaphore(%arg15 : memref<!tpu.dma_semaphore, #tpu.memory_space<semaphore_mem>>)
        %dma_start3A_386 = arith.constant 1 : i32
        %dma_start3A_387 = arith.constant 2 : i32
        %dma_start3A_388 = arith.constant 256 : i32
        %dma_start3A_389 = arith.constant 0 : i32
        %dma_start3A_390 = tpu.memref_slice %arg9[%dma_start3A_388, %dma_start3A_389] : memref<512x32xbf16, #tpu.memory_space<vmem>> -> memref<128x32xbf16, #tpu.memory_space<vmem>>
        %dma_start3A_391 = arith.constant 0 : i32
        %dma_start3A_392 = tpu.memref_slice %arg6[%dma_start3A_386, %dma_start3A_387, %dma_start3A_391] : memref<2x4x128xi32, #tpu.memory_space<vmem>> -> memref<1x1x128xi32, #tpu.memory_space<vmem>>
        %dma_start3A_393 = tpu.memref_squeeze %dma_start3A_392 : memref<1x1x128xi32, #tpu.memory_space<vmem>> -> memref<128xi32, #tpu.memory_space<vmem>>
        %dma_start3A_394 = arith.constant 0 : i32
        %dma_start3A_395 = arith.constant 0 : i32
        %dma_start3A_396 = tpu.memref_slice %arg2[%dma_start3A_394, %dma_start3A_395] : memref<50000x32xbf16, #tpu.memory_space<hbm>> -> memref<50000x32xbf16, #tpu.memory_space<hbm>>
        tpu.enqueue_indirect_dma source(%dma_start3A_396 : memref<50000x32xbf16, #tpu.memory_space<hbm>>) target(%dma_start3A_390 : memref<128x32xbf16, #tpu.memory_space<vmem>>) offsets(%dma_start3A_393 : memref<128xi32, #tpu.memory_space<vmem>>) semaphore(%arg15 : memref<!tpu.dma_semaphore, #tpu.memory_space<semaphore_mem>>)
        %dma_start3A_397 = arith.constant 1 : i32
        %dma_start3A_398 = arith.constant 2 : i32
        %dma_start3A_399 = arith.constant 256 : i32
        %dma_start3A_400 = arith.constant 0 : i32
        %dma_start3A_401 = tpu.memref_slice %arg11[%dma_start3A_399, %dma_start3A_400] : memref<512x32xbf16, #tpu.memory_space<vmem>> -> memref<128x32xbf16, #tpu.memory_space<vmem>>
        %dma_start3A_402 = arith.constant 0 : i32
        %dma_start3A_403 = tpu.memref_slice %arg7[%dma_start3A_397, %dma_start3A_398, %dma_start3A_402] : memref<2x4x128xi32, #tpu.memory_space<vmem>> -> memref<1x1x128xi32, #tpu.memory_space<vmem>>
        %dma_start3A_404 = tpu.memref_squeeze %dma_start3A_403 : memref<1x1x128xi32, #tpu.memory_space<vmem>> -> memref<128xi32, #tpu.memory_space<vmem>>
        %dma_start3A_405 = arith.constant 0 : i32
        %dma_start3A_406 = arith.constant 0 : i32
        %dma_start3A_407 = tpu.memref_slice %arg2[%dma_start3A_405, %dma_start3A_406] : memref<50000x32xbf16, #tpu.memory_space<hbm>> -> memref<50000x32xbf16, #tpu.memory_space<hbm>>
        tpu.enqueue_indirect_dma source(%dma_start3A_407 : memref<50000x32xbf16, #tpu.memory_space<hbm>>) target(%dma_start3A_401 : memref<128x32xbf16, #tpu.memory_space<vmem>>) offsets(%dma_start3A_404 : memref<128xi32, #tpu.memory_space<vmem>>) semaphore(%arg15 : memref<!tpu.dma_semaphore, #tpu.memory_space<semaphore_mem>>)
        %dma_start3A_408 = arith.constant 1 : i32
        %dma_start3A_409 = arith.constant 3 : i32
        %dma_start3A_410 = arith.constant 384 : i32
        %dma_start3A_411 = arith.constant 0 : i32
        %dma_start3A_412 = tpu.memref_slice %arg9[%dma_start3A_410, %dma_start3A_411] : memref<512x32xbf16, #tpu.memory_space<vmem>> -> memref<128x32xbf16, #tpu.memory_space<vmem>>
        %dma_start3A_413 = arith.constant 0 : i32
        %dma_start3A_414 = tpu.memref_slice %arg6[%dma_start3A_408, %dma_start3A_409, %dma_start3A_413] : memref<2x4x128xi32, #tpu.memory_space<vmem>> -> memref<1x1x128xi32, #tpu.memory_space<vmem>>
        %dma_start3A_415 = tpu.memref_squeeze %dma_start3A_414 : memref<1x1x128xi32, #tpu.memory_space<vmem>> -> memref<128xi32, #tpu.memory_space<vmem>>
        %dma_start3A_416 = arith.constant 0 : i32
        %dma_start3A_417 = arith.constant 0 : i32
        %dma_start3A_418 = tpu.memref_slice %arg2[%dma_start3A_416, %dma_start3A_417] : memref<50000x32xbf16, #tpu.memory_space<hbm>> -> memref<50000x32xbf16, #tpu.memory_space<hbm>>
        tpu.enqueue_indirect_dma source(%dma_start3A_418 : memref<50000x32xbf16, #tpu.memory_space<hbm>>) target(%dma_start3A_412 : memref<128x32xbf16, #tpu.memory_space<vmem>>) offsets(%dma_start3A_415 : memref<128xi32, #tpu.memory_space<vmem>>) semaphore(%arg15 : memref<!tpu.dma_semaphore, #tpu.memory_space<semaphore_mem>>)
        %dma_start3A_419 = arith.constant 1 : i32
        %dma_start3A_420 = arith.constant 3 : i32
        %dma_start3A_421 = arith.constant 384 : i32
        %dma_start3A_422 = arith.constant 0 : i32
        %dma_start3A_423 = tpu.memref_slice %arg11[%dma_start3A_421, %dma_start3A_422] : memref<512x32xbf16, #tpu.memory_space<vmem>> -> memref<128x32xbf16, #tpu.memory_space<vmem>>
        %dma_start3A_424 = arith.constant 0 : i32
        %dma_start3A_425 = tpu.memref_slice %arg7[%dma_start3A_419, %dma_start3A_420, %dma_start3A_424] : memref<2x4x128xi32, #tpu.memory_space<vmem>> -> memref<1x1x128xi32, #tpu.memory_space<vmem>>
        %dma_start3A_426 = tpu.memref_squeeze %dma_start3A_425 : memref<1x1x128xi32, #tpu.memory_space<vmem>> -> memref<128xi32, #tpu.memory_space<vmem>>
        %dma_start3A_427 = arith.constant 0 : i32
        %dma_start3A_428 = arith.constant 0 : i32
        %dma_start3A_429 = tpu.memref_slice %arg2[%dma_start3A_427, %dma_start3A_428] : memref<50000x32xbf16, #tpu.memory_space<hbm>> -> memref<50000x32xbf16, #tpu.memory_space<hbm>>
        tpu.enqueue_indirect_dma source(%dma_start3A_429 : memref<50000x32xbf16, #tpu.memory_space<hbm>>) target(%dma_start3A_423 : memref<128x32xbf16, #tpu.memory_space<vmem>>) offsets(%dma_start3A_426 : memref<128xi32, #tpu.memory_space<vmem>>) semaphore(%arg15 : memref<!tpu.dma_semaphore, #tpu.memory_space<semaphore_mem>>)
      } else {
      }
      %dma_wait3A_120 = arith.constant 0 : i32
      %dma_wait3A_121 = arith.constant 0 : i32
      %dma_wait3A_122 = arith.constant 0 : i32
      %dma_wait3A_123 = arith.constant 0 : i32
      %dma_wait3A_124 = tpu.memref_slice %arg8[%dma_wait3A_122, %dma_wait3A_123] : memref<512x32xbf16, #tpu.memory_space<vmem>> -> memref<128x32xbf16, #tpu.memory_space<vmem>>
      %dma_wait3A_125 = arith.constant 0 : i32
      %dma_wait3A_126 = tpu.memref_slice %arg6[%dma_wait3A_120, %dma_wait3A_121, %dma_wait3A_125] : memref<2x4x128xi32, #tpu.memory_space<vmem>> -> memref<1x1x128xi32, #tpu.memory_space<vmem>>
      %dma_wait3A_127 = tpu.memref_squeeze %dma_wait3A_126 : memref<1x1x128xi32, #tpu.memory_space<vmem>> -> memref<128xi32, #tpu.memory_space<vmem>>
      %dma_wait3A_128 = arith.constant 0 : i32
      %dma_wait3A_129 = arith.constant 0 : i32
      %dma_wait3A_130 = tpu.memref_slice %arg2[%dma_wait3A_128, %dma_wait3A_129] : memref<50000x32xbf16, #tpu.memory_space<hbm>> -> memref<50000x32xbf16, #tpu.memory_space<hbm>>
      tpu.wait_indirect_dma semaphore(%arg14 : memref<!tpu.dma_semaphore, #tpu.memory_space<semaphore_mem>>) src(%dma_wait3A_130 : memref<50000x32xbf16, #tpu.memory_space<hbm>>) dst(%dma_wait3A_124 : memref<128x32xbf16, #tpu.memory_space<vmem>>)
      %dma_wait3A_131 = arith.constant 0 : i32
      %dma_wait3A_132 = arith.constant 0 : i32
      %dma_wait3A_133 = arith.constant 0 : i32
      %dma_wait3A_134 = arith.constant 0 : i32
      %dma_wait3A_135 = tpu.memref_slice %arg10[%dma_wait3A_133, %dma_wait3A_134] : memref<512x32xbf16, #tpu.memory_space<vmem>> -> memref<128x32xbf16, #tpu.memory_space<vmem>>
      %dma_wait3A_136 = arith.constant 0 : i32
      %dma_wait3A_137 = tpu.memref_slice %arg7[%dma_wait3A_131, %dma_wait3A_132, %dma_wait3A_136] : memref<2x4x128xi32, #tpu.memory_space<vmem>> -> memref<1x1x128xi32, #tpu.memory_space<vmem>>
      %dma_wait3A_138 = tpu.memref_squeeze %dma_wait3A_137 : memref<1x1x128xi32, #tpu.memory_space<vmem>> -> memref<128xi32, #tpu.memory_space<vmem>>
      %dma_wait3A_139 = arith.constant 0 : i32
      %dma_wait3A_140 = arith.constant 0 : i32
      %dma_wait3A_141 = tpu.memref_slice %arg2[%dma_wait3A_139, %dma_wait3A_140] : memref<50000x32xbf16, #tpu.memory_space<hbm>> -> memref<50000x32xbf16, #tpu.memory_space<hbm>>
      tpu.wait_indirect_dma semaphore(%arg14 : memref<!tpu.dma_semaphore, #tpu.memory_space<semaphore_mem>>) src(%dma_wait3A_141 : memref<50000x32xbf16, #tpu.memory_space<hbm>>) dst(%dma_wait3A_135 : memref<128x32xbf16, #tpu.memory_space<vmem>>)
      %dma_wait3A_142 = arith.constant 0 : i32
      %dma_wait3A_143 = arith.constant 1 : i32
      %dma_wait3A_144 = arith.constant 128 : i32
      %dma_wait3A_145 = arith.constant 0 : i32
      %dma_wait3A_146 = tpu.memref_slice %arg8[%dma_wait3A_144, %dma_wait3A_145] : memref<512x32xbf16, #tpu.memory_space<vmem>> -> memref<128x32xbf16, #tpu.memory_space<vmem>>
      %dma_wait3A_147 = arith.constant 0 : i32
      %dma_wait3A_148 = tpu.memref_slice %arg6[%dma_wait3A_142, %dma_wait3A_143, %dma_wait3A_147] : memref<2x4x128xi32, #tpu.memory_space<vmem>> -> memref<1x1x128xi32, #tpu.memory_space<vmem>>
      %dma_wait3A_149 = tpu.memref_squeeze %dma_wait3A_148 : memref<1x1x128xi32, #tpu.memory_space<vmem>> -> memref<128xi32, #tpu.memory_space<vmem>>
      %dma_wait3A_150 = arith.constant 0 : i32
      %dma_wait3A_151 = arith.constant 0 : i32
      %dma_wait3A_152 = tpu.memref_slice %arg2[%dma_wait3A_150, %dma_wait3A_151] : memref<50000x32xbf16, #tpu.memory_space<hbm>> -> memref<50000x32xbf16, #tpu.memory_space<hbm>>
      tpu.wait_indirect_dma semaphore(%arg14 : memref<!tpu.dma_semaphore, #tpu.memory_space<semaphore_mem>>) src(%dma_wait3A_152 : memref<50000x32xbf16, #tpu.memory_space<hbm>>) dst(%dma_wait3A_146 : memref<128x32xbf16, #tpu.memory_space<vmem>>)
      %dma_wait3A_153 = arith.constant 0 : i32
      %dma_wait3A_154 = arith.constant 1 : i32
      %dma_wait3A_155 = arith.constant 128 : i32
      %dma_wait3A_156 = arith.constant 0 : i32
      %dma_wait3A_157 = tpu.memref_slice %arg10[%dma_wait3A_155, %dma_wait3A_156] : memref<512x32xbf16, #tpu.memory_space<vmem>> -> memref<128x32xbf16, #tpu.memory_space<vmem>>
      %dma_wait3A_158 = arith.constant 0 : i32
      %dma_wait3A_159 = tpu.memref_slice %arg7[%dma_wait3A_153, %dma_wait3A_154, %dma_wait3A_158] : memref<2x4x128xi32, #tpu.memory_space<vmem>> -> memref<1x1x128xi32, #tpu.memory_space<vmem>>
      %dma_wait3A_160 = tpu.memref_squeeze %dma_wait3A_159 : memref<1x1x128xi32, #tpu.memory_space<vmem>> -> memref<128xi32, #tpu.memory_space<vmem>>
      %dma_wait3A_161 = arith.constant 0 : i32
      %dma_wait3A_162 = arith.constant 0 : i32
      %dma_wait3A_163 = tpu.memref_slice %arg2[%dma_wait3A_161, %dma_wait3A_162] : memref<50000x32xbf16, #tpu.memory_space<hbm>> -> memref<50000x32xbf16, #tpu.memory_space<hbm>>
      tpu.wait_indirect_dma semaphore(%arg14 : memref<!tpu.dma_semaphore, #tpu.memory_space<semaphore_mem>>) src(%dma_wait3A_163 : memref<50000x32xbf16, #tpu.memory_space<hbm>>) dst(%dma_wait3A_157 : memref<128x32xbf16, #tpu.memory_space<vmem>>)
      %dma_wait3A_164 = arith.constant 0 : i32
      %dma_wait3A_165 = arith.constant 2 : i32
      %dma_wait3A_166 = arith.constant 256 : i32
      %dma_wait3A_167 = arith.constant 0 : i32
      %dma_wait3A_168 = tpu.memref_slice %arg8[%dma_wait3A_166, %dma_wait3A_167] : memref<512x32xbf16, #tpu.memory_space<vmem>> -> memref<128x32xbf16, #tpu.memory_space<vmem>>
      %dma_wait3A_169 = arith.constant 0 : i32
      %dma_wait3A_170 = tpu.memref_slice %arg6[%dma_wait3A_164, %dma_wait3A_165, %dma_wait3A_169] : memref<2x4x128xi32, #tpu.memory_space<vmem>> -> memref<1x1x128xi32, #tpu.memory_space<vmem>>
      %dma_wait3A_171 = tpu.memref_squeeze %dma_wait3A_170 : memref<1x1x128xi32, #tpu.memory_space<vmem>> -> memref<128xi32, #tpu.memory_space<vmem>>
      %dma_wait3A_172 = arith.constant 0 : i32
      %dma_wait3A_173 = arith.constant 0 : i32
      %dma_wait3A_174 = tpu.memref_slice %arg2[%dma_wait3A_172, %dma_wait3A_173] : memref<50000x32xbf16, #tpu.memory_space<hbm>> -> memref<50000x32xbf16, #tpu.memory_space<hbm>>
      tpu.wait_indirect_dma semaphore(%arg14 : memref<!tpu.dma_semaphore, #tpu.memory_space<semaphore_mem>>) src(%dma_wait3A_174 : memref<50000x32xbf16, #tpu.memory_space<hbm>>) dst(%dma_wait3A_168 : memref<128x32xbf16, #tpu.memory_space<vmem>>)
      %dma_wait3A_175 = arith.constant 0 : i32
      %dma_wait3A_176 = arith.constant 2 : i32
      %dma_wait3A_177 = arith.constant 256 : i32
      %dma_wait3A_178 = arith.constant 0 : i32
      %dma_wait3A_179 = tpu.memref_slice %arg10[%dma_wait3A_177, %dma_wait3A_178] : memref<512x32xbf16, #tpu.memory_space<vmem>> -> memref<128x32xbf16, #tpu.memory_space<vmem>>
      %dma_wait3A_180 = arith.constant 0 : i32
      %dma_wait3A_181 = tpu.memref_slice %arg7[%dma_wait3A_175, %dma_wait3A_176, %dma_wait3A_180] : memref<2x4x128xi32, #tpu.memory_space<vmem>> -> memref<1x1x128xi32, #tpu.memory_space<vmem>>
      %dma_wait3A_182 = tpu.memref_squeeze %dma_wait3A_181 : memref<1x1x128xi32, #tpu.memory_space<vmem>> -> memref<128xi32, #tpu.memory_space<vmem>>
      %dma_wait3A_183 = arith.constant 0 : i32
      %dma_wait3A_184 = arith.constant 0 : i32
      %dma_wait3A_185 = tpu.memref_slice %arg2[%dma_wait3A_183, %dma_wait3A_184] : memref<50000x32xbf16, #tpu.memory_space<hbm>> -> memref<50000x32xbf16, #tpu.memory_space<hbm>>
      tpu.wait_indirect_dma semaphore(%arg14 : memref<!tpu.dma_semaphore, #tpu.memory_space<semaphore_mem>>) src(%dma_wait3A_185 : memref<50000x32xbf16, #tpu.memory_space<hbm>>) dst(%dma_wait3A_179 : memref<128x32xbf16, #tpu.memory_space<vmem>>)
      %dma_wait3A_186 = arith.constant 0 : i32
      %dma_wait3A_187 = arith.constant 3 : i32
      %dma_wait3A_188 = arith.constant 384 : i32
      %dma_wait3A_189 = arith.constant 0 : i32
      %dma_wait3A_190 = tpu.memref_slice %arg8[%dma_wait3A_188, %dma_wait3A_189] : memref<512x32xbf16, #tpu.memory_space<vmem>> -> memref<128x32xbf16, #tpu.memory_space<vmem>>
      %dma_wait3A_191 = arith.constant 0 : i32
      %dma_wait3A_192 = tpu.memref_slice %arg6[%dma_wait3A_186, %dma_wait3A_187, %dma_wait3A_191] : memref<2x4x128xi32, #tpu.memory_space<vmem>> -> memref<1x1x128xi32, #tpu.memory_space<vmem>>
      %dma_wait3A_193 = tpu.memref_squeeze %dma_wait3A_192 : memref<1x1x128xi32, #tpu.memory_space<vmem>> -> memref<128xi32, #tpu.memory_space<vmem>>
      %dma_wait3A_194 = arith.constant 0 : i32
      %dma_wait3A_195 = arith.constant 0 : i32
      %dma_wait3A_196 = tpu.memref_slice %arg2[%dma_wait3A_194, %dma_wait3A_195] : memref<50000x32xbf16, #tpu.memory_space<hbm>> -> memref<50000x32xbf16, #tpu.memory_space<hbm>>
      tpu.wait_indirect_dma semaphore(%arg14 : memref<!tpu.dma_semaphore, #tpu.memory_space<semaphore_mem>>) src(%dma_wait3A_196 : memref<50000x32xbf16, #tpu.memory_space<hbm>>) dst(%dma_wait3A_190 : memref<128x32xbf16, #tpu.memory_space<vmem>>)
      %dma_wait3A_197 = arith.constant 0 : i32
      %dma_wait3A_198 = arith.constant 3 : i32
      %dma_wait3A_199 = arith.constant 384 : i32
      %dma_wait3A_200 = arith.constant 0 : i32
      %dma_wait3A_201 = tpu.memref_slice %arg10[%dma_wait3A_199, %dma_wait3A_200] : memref<512x32xbf16, #tpu.memory_space<vmem>> -> memref<128x32xbf16, #tpu.memory_space<vmem>>
      %dma_wait3A_202 = arith.constant 0 : i32
      %dma_wait3A_203 = tpu.memref_slice %arg7[%dma_wait3A_197, %dma_wait3A_198, %dma_wait3A_202] : memref<2x4x128xi32, #tpu.memory_space<vmem>> -> memref<1x1x128xi32, #tpu.memory_space<vmem>>
      %dma_wait3A_204 = tpu.memref_squeeze %dma_wait3A_203 : memref<1x1x128xi32, #tpu.memory_space<vmem>> -> memref<128xi32, #tpu.memory_space<vmem>>
      %dma_wait3A_205 = arith.constant 0 : i32
      %dma_wait3A_206 = arith.constant 0 : i32
      %dma_wait3A_207 = tpu.memref_slice %arg2[%dma_wait3A_205, %dma_wait3A_206] : memref<50000x32xbf16, #tpu.memory_space<hbm>> -> memref<50000x32xbf16, #tpu.memory_space<hbm>>
      tpu.wait_indirect_dma semaphore(%arg14 : memref<!tpu.dma_semaphore, #tpu.memory_space<semaphore_mem>>) src(%dma_wait3A_207 : memref<50000x32xbf16, #tpu.memory_space<hbm>>) dst(%dma_wait3A_201 : memref<128x32xbf16, #tpu.memory_space<vmem>>)
      %scan3A_208 = arith.constant 0 : i32
      %scan3A_209 = arith.constant 0 : i32
      %scan3A_210 = arith.constant 128 : i32
      %scan3A_211 = arith.addi %scan3A_209, %scan3A_210 : i32
      %scan3A_212 = arith.constant 1 : i32
      scf.for %scan3A_333 = %scan3A_209 to %scan3A_211 step %scan3A_212  : i32 {
        %mul3A_334 = arith.constant 4 : i32
        %mul3A_335 = arith.muli %scan3A_333, %mul3A_334 : i32
        %add3A_336 = arith.constant 0 : i32
        %add3A_337 = arith.addi %mul3A_335, %add3A_336 : i32
        %get3A = arith.index_cast %add3A_337 : i32 to index
        %get3A_338 = arith.constant 0 : index
        %get3A_339 = tpu.vector_load %arg8[%get3A, %get3A_338] {strides = array<i32>} : memref<512x32xbf16, #tpu.memory_space<vmem>>, vector<1x32xbf16>,
        %get3A_340 = vector.shape_cast %get3A_339 : vector<1x32xbf16> to vector<32xbf16>
        %get3A_341 = arith.index_cast %add3A_337 : i32 to index
        %get3A_342 = arith.constant 0 : index
        %get3A_343 = tpu.vector_load %arg10[%get3A_341, %get3A_342] {strides = array<i32>} : memref<512x32xbf16, #tpu.memory_space<vmem>>, vector<1x32xbf16>,
        %get3A_344 = vector.shape_cast %get3A_343 : vector<1x32xbf16> to vector<32xbf16>
        %mul3A_345 = arith.mulf %get3A_340, %get3A_344 : vector<32xbf16>
        %swap3A = arith.index_cast %scan3A_333 : i32 to index
        %swap3A_346 = arith.constant 0 : index
        %swap3A_347 = tpu.vector_load %arg12[%swap3A, %swap3A_346] {strides = array<i32>} : memref<128x128xbf16, #tpu.memory_space<vmem>>, vector<1x32xbf16>,
        %swap3A_348 = vector.shape_cast %swap3A_347 : vector<1x32xbf16> to vector<32xbf16>
        %swap3A_349 = vector.shape_cast %mul3A_345 : vector<32xbf16> to vector<1x32xbf16>
        tpu.vector_store %arg12[%swap3A, %swap3A_346], %swap3A_349 {strides = array<i32>} : memref<128x128xbf16, #tpu.memory_space<vmem>>, vector<1x32xbf16>,
        %mul3A_350 = arith.constant 4 : i32
        %mul3A_351 = arith.muli %scan3A_333, %mul3A_350 : i32
        %add3A_352 = arith.constant 1 : i32
        %add3A_353 = arith.addi %mul3A_351, %add3A_352 : i32
        %get3A_354 = arith.index_cast %add3A_353 : i32 to index
        %get3A_355 = arith.constant 0 : index
        %get3A_356 = tpu.vector_load %arg8[%get3A_354, %get3A_355] {strides = array<i32>} : memref<512x32xbf16, #tpu.memory_space<vmem>>, vector<1x32xbf16>,
        %get3A_357 = vector.shape_cast %get3A_356 : vector<1x32xbf16> to vector<32xbf16>
        %get3A_358 = arith.index_cast %add3A_353 : i32 to index
        %get3A_359 = arith.constant 0 : index
        %get3A_360 = tpu.vector_load %arg10[%get3A_358, %get3A_359] {strides = array<i32>} : memref<512x32xbf16, #tpu.memory_space<vmem>>, vector<1x32xbf16>,
        %get3A_361 = vector.shape_cast %get3A_360 : vector<1x32xbf16> to vector<32xbf16>
        %mul3A_362 = arith.mulf %get3A_357, %get3A_361 : vector<32xbf16>
        %swap3A_363 = arith.index_cast %scan3A_333 : i32 to index
        %swap3A_364 = arith.constant 32 : index
        %swap3A_365 = tpu.vector_load %arg12[%swap3A_363, %swap3A_364] {strides = array<i32>} : memref<128x128xbf16, #tpu.memory_space<vmem>>, vector<1x32xbf16>,
        %swap3A_366 = vector.shape_cast %swap3A_365 : vector<1x32xbf16> to vector<32xbf16>
        %swap3A_367 = vector.shape_cast %mul3A_362 : vector<32xbf16> to vector<1x32xbf16>
        tpu.vector_store %arg12[%swap3A_363, %swap3A_364], %swap3A_367 {strides = array<i32>} : memref<128x128xbf16, #tpu.memory_space<vmem>>, vector<1x32xbf16>,
        %mul3A_368 = arith.constant 4 : i32
        %mul3A_369 = arith.muli %scan3A_333, %mul3A_368 : i32
        %add3A_370 = arith.constant 2 : i32
        %add3A_371 = arith.addi %mul3A_369, %add3A_370 : i32
        %get3A_372 = arith.index_cast %add3A_371 : i32 to index
        %get3A_373 = arith.constant 0 : index
        %get3A_374 = tpu.vector_load %arg8[%get3A_372, %get3A_373] {strides = array<i32>} : memref<512x32xbf16, #tpu.memory_space<vmem>>, vector<1x32xbf16>,
        %get3A_375 = vector.shape_cast %get3A_374 : vector<1x32xbf16> to vector<32xbf16>
        %get3A_376 = arith.index_cast %add3A_371 : i32 to index
        %get3A_377 = arith.constant 0 : index
        %get3A_378 = tpu.vector_load %arg10[%get3A_376, %get3A_377] {strides = array<i32>} : memref<512x32xbf16, #tpu.memory_space<vmem>>, vector<1x32xbf16>,
        %get3A_379 = vector.shape_cast %get3A_378 : vector<1x32xbf16> to vector<32xbf16>
        %mul3A_380 = arith.mulf %get3A_375, %get3A_379 : vector<32xbf16>
        %swap3A_381 = arith.index_cast %scan3A_333 : i32 to index
        %swap3A_382 = arith.constant 64 : index
        %swap3A_383 = tpu.vector_load %arg12[%swap3A_381, %swap3A_382] {strides = array<i32>} : memref<128x128xbf16, #tpu.memory_space<vmem>>, vector<1x32xbf16>,
        %swap3A_384 = vector.shape_cast %swap3A_383 : vector<1x32xbf16> to vector<32xbf16>
        %swap3A_385 = vector.shape_cast %mul3A_380 : vector<32xbf16> to vector<1x32xbf16>
        tpu.vector_store %arg12[%swap3A_381, %swap3A_382], %swap3A_385 {strides = array<i32>} : memref<128x128xbf16, #tpu.memory_space<vmem>>, vector<1x32xbf16>,
        %mul3A_386 = arith.constant 4 : i32
        %mul3A_387 = arith.muli %scan3A_333, %mul3A_386 : i32
        %add3A_388 = arith.constant 3 : i32
        %add3A_389 = arith.addi %mul3A_387, %add3A_388 : i32
        %get3A_390 = arith.index_cast %add3A_389 : i32 to index
        %get3A_391 = arith.constant 0 : index
        %get3A_392 = tpu.vector_load %arg8[%get3A_390, %get3A_391] {strides = array<i32>} : memref<512x32xbf16, #tpu.memory_space<vmem>>, vector<1x32xbf16>,
        %get3A_393 = vector.shape_cast %get3A_392 : vector<1x32xbf16> to vector<32xbf16>
        %get3A_394 = arith.index_cast %add3A_389 : i32 to index
        %get3A_395 = arith.constant 0 : index
        %get3A_396 = tpu.vector_load %arg10[%get3A_394, %get3A_395] {strides = array<i32>} : memref<512x32xbf16, #tpu.memory_space<vmem>>, vector<1x32xbf16>,
        %get3A_397 = vector.shape_cast %get3A_396 : vector<1x32xbf16> to vector<32xbf16>
        %mul3A_398 = arith.mulf %get3A_393, %get3A_397 : vector<32xbf16>
        %swap3A_399 = arith.index_cast %scan3A_333 : i32 to index
        %swap3A_400 = arith.constant 96 : index
        %swap3A_401 = tpu.vector_load %arg12[%swap3A_399, %swap3A_400] {strides = array<i32>} : memref<128x128xbf16, #tpu.memory_space<vmem>>, vector<1x32xbf16>,
        %swap3A_402 = vector.shape_cast %swap3A_401 : vector<1x32xbf16> to vector<32xbf16>
        %swap3A_403 = vector.shape_cast %mul3A_398 : vector<32xbf16> to vector<1x32xbf16>
        tpu.vector_store %arg12[%swap3A_399, %swap3A_400], %swap3A_403 {strides = array<i32>} : memref<128x128xbf16, #tpu.memory_space<vmem>>, vector<1x32xbf16>,
      }
      %scan3A_213 = arith.constant 128 : i32
      %add3A_214 = arith.addi %mul3A_2, %add3A_115 : i32
      %mul3A_215 = arith.constant 128 : i32
      %mul3A_216 = arith.muli %add3A_214, %mul3A_215 : i32
      %dma_start3A_217 = arith.constant 0 : i32
      %dma_start3A_218 = tpu.memref_slice %arg5[%mul3A_216, %dma_start3A_217] : memref<204800x128xbf16, #tpu.memory_space<hbm>> -> memref<128x128xbf16, #tpu.memory_space<hbm>>
      %dma_start3A_219 = arith.constant 0 : i32
      %dma_start3A_220 = tpu.memref_slice %arg5[%mul3A_216, %dma_start3A_219] : memref<204800x128xbf16, #tpu.memory_space<hbm>> -> memref<128x128xbf16, #tpu.memory_space<hbm>>
      tpu.enqueue_dma source(%arg12 : memref<128x128xbf16, #tpu.memory_space<vmem>>) target(%dma_start3A_220 : memref<128x128xbf16, #tpu.memory_space<hbm>>) target_semaphore(%arg16 : memref<!tpu.dma_semaphore, #tpu.memory_space<semaphore_mem>>)
      %mul3A_221 = arith.constant 2 : i32
      %mul3A_222 = arith.muli %mul3A_221, %scan3A_111 : i32
      %add3A_223 = arith.constant 1 : i32
      %add3A_224 = arith.addi %mul3A_222, %add3A_223 : i32
      %add3A_225 = arith.constant 1 : i32
      %add3A_226 = arith.addi %add3A_224, %add3A_225 : i32
      %lt3A_227 = arith.constant 50 : i32
      %lt3A_228 = arith.cmpi slt, %add3A_226, %lt3A_227 : i32
      %convert_element_type3A_229 = arith.extui %lt3A_228 : i1 to i32
      %cond3A_230 = arith.constant 0 : i32
      %cond3A_231 = arith.cmpi ne, %convert_element_type3A_229, %cond3A_230 : i32
      scf.if %cond3A_231 {
        %ge3A = arith.constant 2 : i32
        %ge3A_333 = arith.cmpi sge, %add3A_226, %ge3A : i32
        %convert_element_type3A_334 = arith.extui %ge3A_333 : i1 to i32
        %cond3A_335 = arith.constant 0 : i32
        %cond3A_336 = arith.cmpi ne, %convert_element_type3A_334, %cond3A_335 : i32
        scf.if %cond3A_336 {
          %dma_wait3A_430 = arith.constant 0 : i32
          %dma_wait3A_431 = arith.constant 0 : i32
          %dma_wait3A_432 = tpu.memref_slice %arg5[%dma_wait3A_430, %dma_wait3A_431] : memref<204800x128xbf16, #tpu.memory_space<hbm>> -> memref<128x128xbf16, #tpu.memory_space<hbm>>
          %dma_wait3A_433 = arith.constant 0 : i32
          %dma_wait3A_434 = arith.constant 0 : i32
          %dma_wait3A_435 = tpu.memref_slice %arg5[%dma_wait3A_433, %dma_wait3A_434] : memref<204800x128xbf16, #tpu.memory_space<hbm>> -> memref<128x128xbf16, #tpu.memory_space<hbm>>
          tpu.wait_dma2 semaphore(%arg16 : memref<!tpu.dma_semaphore, #tpu.memory_space<semaphore_mem>>) src(%arg12 : memref<128x128xbf16, #tpu.memory_space<vmem>>) dst(%dma_wait3A_435 : memref<128x128xbf16, #tpu.memory_space<hbm>>)
        } else {
        }
        %add3A_337 = arith.addi %mul3A_2, %add3A_226 : i32
        %mul3A_338 = arith.constant 4 : i32
        %mul3A_339 = arith.muli %add3A_337, %mul3A_338 : i32
        %run_scoped3A_340 = arith.constant 0 : i32
        "tpu.region"() ({
          %run_scoped3A_430 = tpu.sem_alloc : memref<!tpu.dma_semaphore, #tpu.memory_space<semaphore_mem>>
          %dma_start3A_431 = arith.constant 0 : i32
          %dma_start3A_432 = arith.constant 0 : i32
          %dma_start3A_433 = tpu.memref_slice %arg6[%run_scoped3A_340, %dma_start3A_431, %dma_start3A_432] : memref<2x4x128xi32, #tpu.memory_space<vmem>> -> memref<1x4x128xi32, #tpu.memory_space<vmem>>
          %dma_start3A_434 = tpu.memref_squeeze %dma_start3A_433 : memref<1x4x128xi32, #tpu.memory_space<vmem>> -> memref<4x128xi32, #tpu.memory_space<vmem>>
          %dma_start3A_435 = arith.constant 0 : i32
          %dma_start3A_436 = tpu.memref_slice %arg3[%mul3A_339, %dma_start3A_435] : memref<6400x128xi32, #tpu.memory_space<hbm>> -> memref<4x128xi32, #tpu.memory_space<hbm>>
          %dma_start3A_437 = arith.constant 0 : i32
          %dma_start3A_438 = arith.constant 0 : i32
          %dma_start3A_439 = tpu.memref_slice %arg6[%run_scoped3A_340, %dma_start3A_437, %dma_start3A_438] : memref<2x4x128xi32, #tpu.memory_space<vmem>> -> memref<1x4x128xi32, #tpu.memory_space<vmem>>
          %dma_start3A_440 = tpu.memref_squeeze %dma_start3A_439 : memref<1x4x128xi32, #tpu.memory_space<vmem>> -> memref<4x128xi32, #tpu.memory_space<vmem>>
          %dma_start3A_441 = arith.constant 0 : i32
          %dma_start3A_442 = tpu.memref_slice %arg3[%mul3A_339, %dma_start3A_441] : memref<6400x128xi32, #tpu.memory_space<hbm>> -> memref<4x128xi32, #tpu.memory_space<hbm>>
          tpu.enqueue_dma source(%dma_start3A_442 : memref<4x128xi32, #tpu.memory_space<hbm>>) target(%dma_start3A_440 : memref<4x128xi32, #tpu.memory_space<vmem>>) target_semaphore(%run_scoped3A_430 : memref<!tpu.dma_semaphore, #tpu.memory_space<semaphore_mem>>)
          %dma_wait3A_443 = arith.constant 0 : i32
          %dma_wait3A_444 = arith.constant 0 : i32
          %dma_wait3A_445 = tpu.memref_slice %arg6[%run_scoped3A_340, %dma_wait3A_443, %dma_wait3A_444] : memref<2x4x128xi32, #tpu.memory_space<vmem>> -> memref<1x4x128xi32, #tpu.memory_space<vmem>>
          %dma_wait3A_446 = tpu.memref_squeeze %dma_wait3A_445 : memref<1x4x128xi32, #tpu.memory_space<vmem>> -> memref<4x128xi32, #tpu.memory_space<vmem>>
          %dma_wait3A_447 = arith.constant 0 : i32
          %dma_wait3A_448 = tpu.memref_slice %arg3[%mul3A_339, %dma_wait3A_447] : memref<6400x128xi32, #tpu.memory_space<hbm>> -> memref<4x128xi32, #tpu.memory_space<hbm>>
          %dma_wait3A_449 = arith.constant 0 : i32
          %dma_wait3A_450 = arith.constant 0 : i32
          %dma_wait3A_451 = tpu.memref_slice %arg6[%run_scoped3A_340, %dma_wait3A_449, %dma_wait3A_450] : memref<2x4x128xi32, #tpu.memory_space<vmem>> -> memref<1x4x128xi32, #tpu.memory_space<vmem>>
          %dma_wait3A_452 = tpu.memref_squeeze %dma_wait3A_451 : memref<1x4x128xi32, #tpu.memory_space<vmem>> -> memref<4x128xi32, #tpu.memory_space<vmem>>
          %dma_wait3A_453 = arith.constant 0 : i32
          %dma_wait3A_454 = tpu.memref_slice %arg3[%mul3A_339, %dma_wait3A_453] : memref<6400x128xi32, #tpu.memory_space<hbm>> -> memref<4x128xi32, #tpu.memory_space<hbm>>
          tpu.wait_dma2 semaphore(%run_scoped3A_430 : memref<!tpu.dma_semaphore, #tpu.memory_space<semaphore_mem>>) src(%dma_wait3A_454 : memref<4x128xi32, #tpu.memory_space<hbm>>) dst(%dma_wait3A_452 : memref<4x128xi32, #tpu.memory_space<vmem>>)
          tpu.yield
        }) : () -> ()
        %run_scoped3A_341 = arith.constant 0 : i32
        "tpu.region"() ({
          %run_scoped3A_430 = tpu.sem_alloc : memref<!tpu.dma_semaphore, #tpu.memory_space<semaphore_mem>>
          %dma_start3A_431 = arith.constant 0 : i32
          %dma_start3A_432 = arith.constant 0 : i32
          %dma_start3A_433 = tpu.memref_slice %arg7[%run_scoped3A_341, %dma_start3A_431, %dma_start3A_432] : memref<2x4x128xi32, #tpu.memory_space<vmem>> -> memref<1x4x128xi32, #tpu.memory_space<vmem>>
          %dma_start3A_434 = tpu.memref_squeeze %dma_start3A_433 : memref<1x4x128xi32, #tpu.memory_space<vmem>> -> memref<4x128xi32, #tpu.memory_space<vmem>>
          %dma_start3A_435 = arith.constant 0 : i32
          %dma_start3A_436 = tpu.memref_slice %arg4[%mul3A_339, %dma_start3A_435] : memref<6400x128xi32, #tpu.memory_space<hbm>> -> memref<4x128xi32, #tpu.memory_space<hbm>>
          %dma_start3A_437 = arith.constant 0 : i32
          %dma_start3A_438 = arith.constant 0 : i32
          %dma_start3A_439 = tpu.memref_slice %arg7[%run_scoped3A_341, %dma_start3A_437, %dma_start3A_438] : memref<2x4x128xi32, #tpu.memory_space<vmem>> -> memref<1x4x128xi32, #tpu.memory_space<vmem>>
          %dma_start3A_440 = tpu.memref_squeeze %dma_start3A_439 : memref<1x4x128xi32, #tpu.memory_space<vmem>> -> memref<4x128xi32, #tpu.memory_space<vmem>>
          %dma_start3A_441 = arith.constant 0 : i32
          %dma_start3A_442 = tpu.memref_slice %arg4[%mul3A_339, %dma_start3A_441] : memref<6400x128xi32, #tpu.memory_space<hbm>> -> memref<4x128xi32, #tpu.memory_space<hbm>>
          tpu.enqueue_dma source(%dma_start3A_442 : memref<4x128xi32, #tpu.memory_space<hbm>>) target(%dma_start3A_440 : memref<4x128xi32, #tpu.memory_space<vmem>>) target_semaphore(%run_scoped3A_430 : memref<!tpu.dma_semaphore, #tpu.memory_space<semaphore_mem>>)
          %dma_wait3A_443 = arith.constant 0 : i32
          %dma_wait3A_444 = arith.constant 0 : i32
          %dma_wait3A_445 = tpu.memref_slice %arg7[%run_scoped3A_341, %dma_wait3A_443, %dma_wait3A_444] : memref<2x4x128xi32, #tpu.memory_space<vmem>> -> memref<1x4x128xi32, #tpu.memory_space<vmem>>
          %dma_wait3A_446 = tpu.memref_squeeze %dma_wait3A_445 : memref<1x4x128xi32, #tpu.memory_space<vmem>> -> memref<4x128xi32, #tpu.memory_space<vmem>>
          %dma_wait3A_447 = arith.constant 0 : i32
          %dma_wait3A_448 = tpu.memref_slice %arg4[%mul3A_339, %dma_wait3A_447] : memref<6400x128xi32, #tpu.memory_space<hbm>> -> memref<4x128xi32, #tpu.memory_space<hbm>>
          %dma_wait3A_449 = arith.constant 0 : i32
          %dma_wait3A_450 = arith.constant 0 : i32
          %dma_wait3A_451 = tpu.memref_slice %arg7[%run_scoped3A_341, %dma_wait3A_449, %dma_wait3A_450] : memref<2x4x128xi32, #tpu.memory_space<vmem>> -> memref<1x4x128xi32, #tpu.memory_space<vmem>>
          %dma_wait3A_452 = tpu.memref_squeeze %dma_wait3A_451 : memref<1x4x128xi32, #tpu.memory_space<vmem>> -> memref<4x128xi32, #tpu.memory_space<vmem>>
          %dma_wait3A_453 = arith.constant 0 : i32
          %dma_wait3A_454 = tpu.memref_slice %arg4[%mul3A_339, %dma_wait3A_453] : memref<6400x128xi32, #tpu.memory_space<hbm>> -> memref<4x128xi32, #tpu.memory_space<hbm>>
          tpu.wait_dma2 semaphore(%run_scoped3A_430 : memref<!tpu.dma_semaphore, #tpu.memory_space<semaphore_mem>>) src(%dma_wait3A_454 : memref<4x128xi32, #tpu.memory_space<hbm>>) dst(%dma_wait3A_452 : memref<4x128xi32, #tpu.memory_space<vmem>>)
          tpu.yield
        }) : () -> ()
        %dma_start3A_342 = arith.constant 0 : i32
        %dma_start3A_343 = arith.constant 0 : i32
        %dma_start3A_344 = arith.constant 0 : i32
        %dma_start3A_345 = arith.constant 0 : i32
        %dma_start3A_346 = tpu.memref_slice %arg8[%dma_start3A_344, %dma_start3A_345] : memref<512x32xbf16, #tpu.memory_space<vmem>> -> memref<128x32xbf16, #tpu.memory_space<vmem>>
        %dma_start3A_347 = arith.constant 0 : i32
        %dma_start3A_348 = tpu.memref_slice %arg6[%dma_start3A_342, %dma_start3A_343, %dma_start3A_347] : memref<2x4x128xi32, #tpu.memory_space<vmem>> -> memref<1x1x128xi32, #tpu.memory_space<vmem>>
        %dma_start3A_349 = tpu.memref_squeeze %dma_start3A_348 : memref<1x1x128xi32, #tpu.memory_space<vmem>> -> memref<128xi32, #tpu.memory_space<vmem>>
        %dma_start3A_350 = arith.constant 0 : i32
        %dma_start3A_351 = arith.constant 0 : i32
        %dma_start3A_352 = tpu.memref_slice %arg2[%dma_start3A_350, %dma_start3A_351] : memref<50000x32xbf16, #tpu.memory_space<hbm>> -> memref<50000x32xbf16, #tpu.memory_space<hbm>>
        tpu.enqueue_indirect_dma source(%dma_start3A_352 : memref<50000x32xbf16, #tpu.memory_space<hbm>>) target(%dma_start3A_346 : memref<128x32xbf16, #tpu.memory_space<vmem>>) offsets(%dma_start3A_349 : memref<128xi32, #tpu.memory_space<vmem>>) semaphore(%arg14 : memref<!tpu.dma_semaphore, #tpu.memory_space<semaphore_mem>>)
        %dma_start3A_353 = arith.constant 0 : i32
        %dma_start3A_354 = arith.constant 0 : i32
        %dma_start3A_355 = arith.constant 0 : i32
        %dma_start3A_356 = arith.constant 0 : i32
        %dma_start3A_357 = tpu.memref_slice %arg10[%dma_start3A_355, %dma_start3A_356] : memref<512x32xbf16, #tpu.memory_space<vmem>> -> memref<128x32xbf16, #tpu.memory_space<vmem>>
        %dma_start3A_358 = arith.constant 0 : i32
        %dma_start3A_359 = tpu.memref_slice %arg7[%dma_start3A_353, %dma_start3A_354, %dma_start3A_358] : memref<2x4x128xi32, #tpu.memory_space<vmem>> -> memref<1x1x128xi32, #tpu.memory_space<vmem>>
        %dma_start3A_360 = tpu.memref_squeeze %dma_start3A_359 : memref<1x1x128xi32, #tpu.memory_space<vmem>> -> memref<128xi32, #tpu.memory_space<vmem>>
        %dma_start3A_361 = arith.constant 0 : i32
        %dma_start3A_362 = arith.constant 0 : i32
        %dma_start3A_363 = tpu.memref_slice %arg2[%dma_start3A_361, %dma_start3A_362] : memref<50000x32xbf16, #tpu.memory_space<hbm>> -> memref<50000x32xbf16, #tpu.memory_space<hbm>>
        tpu.enqueue_indirect_dma source(%dma_start3A_363 : memref<50000x32xbf16, #tpu.memory_space<hbm>>) target(%dma_start3A_357 : memref<128x32xbf16, #tpu.memory_space<vmem>>) offsets(%dma_start3A_360 : memref<128xi32, #tpu.memory_space<vmem>>) semaphore(%arg14 : memref<!tpu.dma_semaphore, #tpu.memory_space<semaphore_mem>>)
        %dma_start3A_364 = arith.constant 0 : i32
        %dma_start3A_365 = arith.constant 1 : i32
        %dma_start3A_366 = arith.constant 128 : i32
        %dma_start3A_367 = arith.constant 0 : i32
        %dma_start3A_368 = tpu.memref_slice %arg8[%dma_start3A_366, %dma_start3A_367] : memref<512x32xbf16, #tpu.memory_space<vmem>> -> memref<128x32xbf16, #tpu.memory_space<vmem>>
        %dma_start3A_369 = arith.constant 0 : i32
        %dma_start3A_370 = tpu.memref_slice %arg6[%dma_start3A_364, %dma_start3A_365, %dma_start3A_369] : memref<2x4x128xi32, #tpu.memory_space<vmem>> -> memref<1x1x128xi32, #tpu.memory_space<vmem>>
        %dma_start3A_371 = tpu.memref_squeeze %dma_start3A_370 : memref<1x1x128xi32, #tpu.memory_space<vmem>> -> memref<128xi32, #tpu.memory_space<vmem>>
        %dma_start3A_372 = arith.constant 0 : i32
        %dma_start3A_373 = arith.constant 0 : i32
        %dma_start3A_374 = tpu.memref_slice %arg2[%dma_start3A_372, %dma_start3A_373] : memref<50000x32xbf16, #tpu.memory_space<hbm>> -> memref<50000x32xbf16, #tpu.memory_space<hbm>>
        tpu.enqueue_indirect_dma source(%dma_start3A_374 : memref<50000x32xbf16, #tpu.memory_space<hbm>>) target(%dma_start3A_368 : memref<128x32xbf16, #tpu.memory_space<vmem>>) offsets(%dma_start3A_371 : memref<128xi32, #tpu.memory_space<vmem>>) semaphore(%arg14 : memref<!tpu.dma_semaphore, #tpu.memory_space<semaphore_mem>>)
        %dma_start3A_375 = arith.constant 0 : i32
        %dma_start3A_376 = arith.constant 1 : i32
        %dma_start3A_377 = arith.constant 128 : i32
        %dma_start3A_378 = arith.constant 0 : i32
        %dma_start3A_379 = tpu.memref_slice %arg10[%dma_start3A_377, %dma_start3A_378] : memref<512x32xbf16, #tpu.memory_space<vmem>> -> memref<128x32xbf16, #tpu.memory_space<vmem>>
        %dma_start3A_380 = arith.constant 0 : i32
        %dma_start3A_381 = tpu.memref_slice %arg7[%dma_start3A_375, %dma_start3A_376, %dma_start3A_380] : memref<2x4x128xi32, #tpu.memory_space<vmem>> -> memref<1x1x128xi32, #tpu.memory_space<vmem>>
        %dma_start3A_382 = tpu.memref_squeeze %dma_start3A_381 : memref<1x1x128xi32, #tpu.memory_space<vmem>> -> memref<128xi32, #tpu.memory_space<vmem>>
        %dma_start3A_383 = arith.constant 0 : i32
        %dma_start3A_384 = arith.constant 0 : i32
        %dma_start3A_385 = tpu.memref_slice %arg2[%dma_start3A_383, %dma_start3A_384] : memref<50000x32xbf16, #tpu.memory_space<hbm>> -> memref<50000x32xbf16, #tpu.memory_space<hbm>>
        tpu.enqueue_indirect_dma source(%dma_start3A_385 : memref<50000x32xbf16, #tpu.memory_space<hbm>>) target(%dma_start3A_379 : memref<128x32xbf16, #tpu.memory_space<vmem>>) offsets(%dma_start3A_382 : memref<128xi32, #tpu.memory_space<vmem>>) semaphore(%arg14 : memref<!tpu.dma_semaphore, #tpu.memory_space<semaphore_mem>>)
        %dma_start3A_386 = arith.constant 0 : i32
        %dma_start3A_387 = arith.constant 2 : i32
        %dma_start3A_388 = arith.constant 256 : i32
        %dma_start3A_389 = arith.constant 0 : i32
        %dma_start3A_390 = tpu.memref_slice %arg8[%dma_start3A_388, %dma_start3A_389] : memref<512x32xbf16, #tpu.memory_space<vmem>> -> memref<128x32xbf16, #tpu.memory_space<vmem>>
        %dma_start3A_391 = arith.constant 0 : i32
        %dma_start3A_392 = tpu.memref_slice %arg6[%dma_start3A_386, %dma_start3A_387, %dma_start3A_391] : memref<2x4x128xi32, #tpu.memory_space<vmem>> -> memref<1x1x128xi32, #tpu.memory_space<vmem>>
        %dma_start3A_393 = tpu.memref_squeeze %dma_start3A_392 : memref<1x1x128xi32, #tpu.memory_space<vmem>> -> memref<128xi32, #tpu.memory_space<vmem>>
        %dma_start3A_394 = arith.constant 0 : i32
        %dma_start3A_395 = arith.constant 0 : i32
        %dma_start3A_396 = tpu.memref_slice %arg2[%dma_start3A_394, %dma_start3A_395] : memref<50000x32xbf16, #tpu.memory_space<hbm>> -> memref<50000x32xbf16, #tpu.memory_space<hbm>>
        tpu.enqueue_indirect_dma source(%dma_start3A_396 : memref<50000x32xbf16, #tpu.memory_space<hbm>>) target(%dma_start3A_390 : memref<128x32xbf16, #tpu.memory_space<vmem>>) offsets(%dma_start3A_393 : memref<128xi32, #tpu.memory_space<vmem>>) semaphore(%arg14 : memref<!tpu.dma_semaphore, #tpu.memory_space<semaphore_mem>>)
        %dma_start3A_397 = arith.constant 0 : i32
        %dma_start3A_398 = arith.constant 2 : i32
        %dma_start3A_399 = arith.constant 256 : i32
        %dma_start3A_400 = arith.constant 0 : i32
        %dma_start3A_401 = tpu.memref_slice %arg10[%dma_start3A_399, %dma_start3A_400] : memref<512x32xbf16, #tpu.memory_space<vmem>> -> memref<128x32xbf16, #tpu.memory_space<vmem>>
        %dma_start3A_402 = arith.constant 0 : i32
        %dma_start3A_403 = tpu.memref_slice %arg7[%dma_start3A_397, %dma_start3A_398, %dma_start3A_402] : memref<2x4x128xi32, #tpu.memory_space<vmem>> -> memref<1x1x128xi32, #tpu.memory_space<vmem>>
        %dma_start3A_404 = tpu.memref_squeeze %dma_start3A_403 : memref<1x1x128xi32, #tpu.memory_space<vmem>> -> memref<128xi32, #tpu.memory_space<vmem>>
        %dma_start3A_405 = arith.constant 0 : i32
        %dma_start3A_406 = arith.constant 0 : i32
        %dma_start3A_407 = tpu.memref_slice %arg2[%dma_start3A_405, %dma_start3A_406] : memref<50000x32xbf16, #tpu.memory_space<hbm>> -> memref<50000x32xbf16, #tpu.memory_space<hbm>>
        tpu.enqueue_indirect_dma source(%dma_start3A_407 : memref<50000x32xbf16, #tpu.memory_space<hbm>>) target(%dma_start3A_401 : memref<128x32xbf16, #tpu.memory_space<vmem>>) offsets(%dma_start3A_404 : memref<128xi32, #tpu.memory_space<vmem>>) semaphore(%arg14 : memref<!tpu.dma_semaphore, #tpu.memory_space<semaphore_mem>>)
        %dma_start3A_408 = arith.constant 0 : i32
        %dma_start3A_409 = arith.constant 3 : i32
        %dma_start3A_410 = arith.constant 384 : i32
        %dma_start3A_411 = arith.constant 0 : i32
        %dma_start3A_412 = tpu.memref_slice %arg8[%dma_start3A_410, %dma_start3A_411] : memref<512x32xbf16, #tpu.memory_space<vmem>> -> memref<128x32xbf16, #tpu.memory_space<vmem>>
        %dma_start3A_413 = arith.constant 0 : i32
        %dma_start3A_414 = tpu.memref_slice %arg6[%dma_start3A_408, %dma_start3A_409, %dma_start3A_413] : memref<2x4x128xi32, #tpu.memory_space<vmem>> -> memref<1x1x128xi32, #tpu.memory_space<vmem>>
        %dma_start3A_415 = tpu.memref_squeeze %dma_start3A_414 : memref<1x1x128xi32, #tpu.memory_space<vmem>> -> memref<128xi32, #tpu.memory_space<vmem>>
        %dma_start3A_416 = arith.constant 0 : i32
        %dma_start3A_417 = arith.constant 0 : i32
        %dma_start3A_418 = tpu.memref_slice %arg2[%dma_start3A_416, %dma_start3A_417] : memref<50000x32xbf16, #tpu.memory_space<hbm>> -> memref<50000x32xbf16, #tpu.memory_space<hbm>>
        tpu.enqueue_indirect_dma source(%dma_start3A_418 : memref<50000x32xbf16, #tpu.memory_space<hbm>>) target(%dma_start3A_412 : memref<128x32xbf16, #tpu.memory_space<vmem>>) offsets(%dma_start3A_415 : memref<128xi32, #tpu.memory_space<vmem>>) semaphore(%arg14 : memref<!tpu.dma_semaphore, #tpu.memory_space<semaphore_mem>>)
        %dma_start3A_419 = arith.constant 0 : i32
        %dma_start3A_420 = arith.constant 3 : i32
        %dma_start3A_421 = arith.constant 384 : i32
        %dma_start3A_422 = arith.constant 0 : i32
        %dma_start3A_423 = tpu.memref_slice %arg10[%dma_start3A_421, %dma_start3A_422] : memref<512x32xbf16, #tpu.memory_space<vmem>> -> memref<128x32xbf16, #tpu.memory_space<vmem>>
        %dma_start3A_424 = arith.constant 0 : i32
        %dma_start3A_425 = tpu.memref_slice %arg7[%dma_start3A_419, %dma_start3A_420, %dma_start3A_424] : memref<2x4x128xi32, #tpu.memory_space<vmem>> -> memref<1x1x128xi32, #tpu.memory_space<vmem>>
        %dma_start3A_426 = tpu.memref_squeeze %dma_start3A_425 : memref<1x1x128xi32, #tpu.memory_space<vmem>> -> memref<128xi32, #tpu.memory_space<vmem>>
        %dma_start3A_427 = arith.constant 0 : i32
        %dma_start3A_428 = arith.constant 0 : i32
        %dma_start3A_429 = tpu.memref_slice %arg2[%dma_start3A_427, %dma_start3A_428] : memref<50000x32xbf16, #tpu.memory_space<hbm>> -> memref<50000x32xbf16, #tpu.memory_space<hbm>>
        tpu.enqueue_indirect_dma source(%dma_start3A_429 : memref<50000x32xbf16, #tpu.memory_space<hbm>>) target(%dma_start3A_423 : memref<128x32xbf16, #tpu.memory_space<vmem>>) offsets(%dma_start3A_426 : memref<128xi32, #tpu.memory_space<vmem>>) semaphore(%arg14 : memref<!tpu.dma_semaphore, #tpu.memory_space<semaphore_mem>>)
      } else {
      }
      %dma_wait3A_232 = arith.constant 1 : i32
      %dma_wait3A_233 = arith.constant 0 : i32
      %dma_wait3A_234 = arith.constant 0 : i32
      %dma_wait3A_235 = arith.constant 0 : i32
      %dma_wait3A_236 = tpu.memref_slice %arg9[%dma_wait3A_234, %dma_wait3A_235] : memref<512x32xbf16, #tpu.memory_space<vmem>> -> memref<128x32xbf16, #tpu.memory_space<vmem>>
      %dma_wait3A_237 = arith.constant 0 : i32
      %dma_wait3A_238 = tpu.memref_slice %arg6[%dma_wait3A_232, %dma_wait3A_233, %dma_wait3A_237] : memref<2x4x128xi32, #tpu.memory_space<vmem>> -> memref<1x1x128xi32, #tpu.memory_space<vmem>>
      %dma_wait3A_239 = tpu.memref_squeeze %dma_wait3A_238 : memref<1x1x128xi32, #tpu.memory_space<vmem>> -> memref<128xi32, #tpu.memory_space<vmem>>
      %dma_wait3A_240 = arith.constant 0 : i32
      %dma_wait3A_241 = arith.constant 0 : i32
      %dma_wait3A_242 = tpu.memref_slice %arg2[%dma_wait3A_240, %dma_wait3A_241] : memref<50000x32xbf16, #tpu.memory_space<hbm>> -> memref<50000x32xbf16, #tpu.memory_space<hbm>>
      tpu.wait_indirect_dma semaphore(%arg15 : memref<!tpu.dma_semaphore, #tpu.memory_space<semaphore_mem>>) src(%dma_wait3A_242 : memref<50000x32xbf16, #tpu.memory_space<hbm>>) dst(%dma_wait3A_236 : memref<128x32xbf16, #tpu.memory_space<vmem>>)
      %dma_wait3A_243 = arith.constant 1 : i32
      %dma_wait3A_244 = arith.constant 0 : i32
      %dma_wait3A_245 = arith.constant 0 : i32
      %dma_wait3A_246 = arith.constant 0 : i32
      %dma_wait3A_247 = tpu.memref_slice %arg11[%dma_wait3A_245, %dma_wait3A_246] : memref<512x32xbf16, #tpu.memory_space<vmem>> -> memref<128x32xbf16, #tpu.memory_space<vmem>>
      %dma_wait3A_248 = arith.constant 0 : i32
      %dma_wait3A_249 = tpu.memref_slice %arg7[%dma_wait3A_243, %dma_wait3A_244, %dma_wait3A_248] : memref<2x4x128xi32, #tpu.memory_space<vmem>> -> memref<1x1x128xi32, #tpu.memory_space<vmem>>
      %dma_wait3A_250 = tpu.memref_squeeze %dma_wait3A_249 : memref<1x1x128xi32, #tpu.memory_space<vmem>> -> memref<128xi32, #tpu.memory_space<vmem>>
      %dma_wait3A_251 = arith.constant 0 : i32
      %dma_wait3A_252 = arith.constant 0 : i32
      %dma_wait3A_253 = tpu.memref_slice %arg2[%dma_wait3A_251, %dma_wait3A_252] : memref<50000x32xbf16, #tpu.memory_space<hbm>> -> memref<50000x32xbf16, #tpu.memory_space<hbm>>
      tpu.wait_indirect_dma semaphore(%arg15 : memref<!tpu.dma_semaphore, #tpu.memory_space<semaphore_mem>>) src(%dma_wait3A_253 : memref<50000x32xbf16, #tpu.memory_space<hbm>>) dst(%dma_wait3A_247 : memref<128x32xbf16, #tpu.memory_space<vmem>>)
      %dma_wait3A_254 = arith.constant 1 : i32
      %dma_wait3A_255 = arith.constant 1 : i32
      %dma_wait3A_256 = arith.constant 128 : i32
      %dma_wait3A_257 = arith.constant 0 : i32
      %dma_wait3A_258 = tpu.memref_slice %arg9[%dma_wait3A_256, %dma_wait3A_257] : memref<512x32xbf16, #tpu.memory_space<vmem>> -> memref<128x32xbf16, #tpu.memory_space<vmem>>
      %dma_wait3A_259 = arith.constant 0 : i32
      %dma_wait3A_260 = tpu.memref_slice %arg6[%dma_wait3A_254, %dma_wait3A_255, %dma_wait3A_259] : memref<2x4x128xi32, #tpu.memory_space<vmem>> -> memref<1x1x128xi32, #tpu.memory_space<vmem>>
      %dma_wait3A_261 = tpu.memref_squeeze %dma_wait3A_260 : memref<1x1x128xi32, #tpu.memory_space<vmem>> -> memref<128xi32, #tpu.memory_space<vmem>>
      %dma_wait3A_262 = arith.constant 0 : i32
      %dma_wait3A_263 = arith.constant 0 : i32
      %dma_wait3A_264 = tpu.memref_slice %arg2[%dma_wait3A_262, %dma_wait3A_263] : memref<50000x32xbf16, #tpu.memory_space<hbm>> -> memref<50000x32xbf16, #tpu.memory_space<hbm>>
      tpu.wait_indirect_dma semaphore(%arg15 : memref<!tpu.dma_semaphore, #tpu.memory_space<semaphore_mem>>) src(%dma_wait3A_264 : memref<50000x32xbf16, #tpu.memory_space<hbm>>) dst(%dma_wait3A_258 : memref<128x32xbf16, #tpu.memory_space<vmem>>)
      %dma_wait3A_265 = arith.constant 1 : i32
      %dma_wait3A_266 = arith.constant 1 : i32
      %dma_wait3A_267 = arith.constant 128 : i32
      %dma_wait3A_268 = arith.constant 0 : i32
      %dma_wait3A_269 = tpu.memref_slice %arg11[%dma_wait3A_267, %dma_wait3A_268] : memref<512x32xbf16, #tpu.memory_space<vmem>> -> memref<128x32xbf16, #tpu.memory_space<vmem>>
      %dma_wait3A_270 = arith.constant 0 : i32
      %dma_wait3A_271 = tpu.memref_slice %arg7[%dma_wait3A_265, %dma_wait3A_266, %dma_wait3A_270] : memref<2x4x128xi32, #tpu.memory_space<vmem>> -> memref<1x1x128xi32, #tpu.memory_space<vmem>>
      %dma_wait3A_272 = tpu.memref_squeeze %dma_wait3A_271 : memref<1x1x128xi32, #tpu.memory_space<vmem>> -> memref<128xi32, #tpu.memory_space<vmem>>
      %dma_wait3A_273 = arith.constant 0 : i32
      %dma_wait3A_274 = arith.constant 0 : i32
      %dma_wait3A_275 = tpu.memref_slice %arg2[%dma_wait3A_273, %dma_wait3A_274] : memref<50000x32xbf16, #tpu.memory_space<hbm>> -> memref<50000x32xbf16, #tpu.memory_space<hbm>>
      tpu.wait_indirect_dma semaphore(%arg15 : memref<!tpu.dma_semaphore, #tpu.memory_space<semaphore_mem>>) src(%dma_wait3A_275 : memref<50000x32xbf16, #tpu.memory_space<hbm>>) dst(%dma_wait3A_269 : memref<128x32xbf16, #tpu.memory_space<vmem>>)
      %dma_wait3A_276 = arith.constant 1 : i32
      %dma_wait3A_277 = arith.constant 2 : i32
      %dma_wait3A_278 = arith.constant 256 : i32
      %dma_wait3A_279 = arith.constant 0 : i32
      %dma_wait3A_280 = tpu.memref_slice %arg9[%dma_wait3A_278, %dma_wait3A_279] : memref<512x32xbf16, #tpu.memory_space<vmem>> -> memref<128x32xbf16, #tpu.memory_space<vmem>>
      %dma_wait3A_281 = arith.constant 0 : i32
      %dma_wait3A_282 = tpu.memref_slice %arg6[%dma_wait3A_276, %dma_wait3A_277, %dma_wait3A_281] : memref<2x4x128xi32, #tpu.memory_space<vmem>> -> memref<1x1x128xi32, #tpu.memory_space<vmem>>
      %dma_wait3A_283 = tpu.memref_squeeze %dma_wait3A_282 : memref<1x1x128xi32, #tpu.memory_space<vmem>> -> memref<128xi32, #tpu.memory_space<vmem>>
      %dma_wait3A_284 = arith.constant 0 : i32
      %dma_wait3A_285 = arith.constant 0 : i32
      %dma_wait3A_286 = tpu.memref_slice %arg2[%dma_wait3A_284, %dma_wait3A_285] : memref<50000x32xbf16, #tpu.memory_space<hbm>> -> memref<50000x32xbf16, #tpu.memory_space<hbm>>
      tpu.wait_indirect_dma semaphore(%arg15 : memref<!tpu.dma_semaphore, #tpu.memory_space<semaphore_mem>>) src(%dma_wait3A_286 : memref<50000x32xbf16, #tpu.memory_space<hbm>>) dst(%dma_wait3A_280 : memref<128x32xbf16, #tpu.memory_space<vmem>>)
      %dma_wait3A_287 = arith.constant 1 : i32
      %dma_wait3A_288 = arith.constant 2 : i32
      %dma_wait3A_289 = arith.constant 256 : i32
      %dma_wait3A_290 = arith.constant 0 : i32
      %dma_wait3A_291 = tpu.memref_slice %arg11[%dma_wait3A_289, %dma_wait3A_290] : memref<512x32xbf16, #tpu.memory_space<vmem>> -> memref<128x32xbf16, #tpu.memory_space<vmem>>
      %dma_wait3A_292 = arith.constant 0 : i32
      %dma_wait3A_293 = tpu.memref_slice %arg7[%dma_wait3A_287, %dma_wait3A_288, %dma_wait3A_292] : memref<2x4x128xi32, #tpu.memory_space<vmem>> -> memref<1x1x128xi32, #tpu.memory_space<vmem>>
      %dma_wait3A_294 = tpu.memref_squeeze %dma_wait3A_293 : memref<1x1x128xi32, #tpu.memory_space<vmem>> -> memref<128xi32, #tpu.memory_space<vmem>>
      %dma_wait3A_295 = arith.constant 0 : i32
      %dma_wait3A_296 = arith.constant 0 : i32
      %dma_wait3A_297 = tpu.memref_slice %arg2[%dma_wait3A_295, %dma_wait3A_296] : memref<50000x32xbf16, #tpu.memory_space<hbm>> -> memref<50000x32xbf16, #tpu.memory_space<hbm>>
      tpu.wait_indirect_dma semaphore(%arg15 : memref<!tpu.dma_semaphore, #tpu.memory_space<semaphore_mem>>) src(%dma_wait3A_297 : memref<50000x32xbf16, #tpu.memory_space<hbm>>) dst(%dma_wait3A_291 : memref<128x32xbf16, #tpu.memory_space<vmem>>)
      %dma_wait3A_298 = arith.constant 1 : i32
      %dma_wait3A_299 = arith.constant 3 : i32
      %dma_wait3A_300 = arith.constant 384 : i32
      %dma_wait3A_301 = arith.constant 0 : i32
      %dma_wait3A_302 = tpu.memref_slice %arg9[%dma_wait3A_300, %dma_wait3A_301] : memref<512x32xbf16, #tpu.memory_space<vmem>> -> memref<128x32xbf16, #tpu.memory_space<vmem>>
      %dma_wait3A_303 = arith.constant 0 : i32
      %dma_wait3A_304 = tpu.memref_slice %arg6[%dma_wait3A_298, %dma_wait3A_299, %dma_wait3A_303] : memref<2x4x128xi32, #tpu.memory_space<vmem>> -> memref<1x1x128xi32, #tpu.memory_space<vmem>>
      %dma_wait3A_305 = tpu.memref_squeeze %dma_wait3A_304 : memref<1x1x128xi32, #tpu.memory_space<vmem>> -> memref<128xi32, #tpu.memory_space<vmem>>
      %dma_wait3A_306 = arith.constant 0 : i32
      %dma_wait3A_307 = arith.constant 0 : i32
      %dma_wait3A_308 = tpu.memref_slice %arg2[%dma_wait3A_306, %dma_wait3A_307] : memref<50000x32xbf16, #tpu.memory_space<hbm>> -> memref<50000x32xbf16, #tpu.memory_space<hbm>>
      tpu.wait_indirect_dma semaphore(%arg15 : memref<!tpu.dma_semaphore, #tpu.memory_space<semaphore_mem>>) src(%dma_wait3A_308 : memref<50000x32xbf16, #tpu.memory_space<hbm>>) dst(%dma_wait3A_302 : memref<128x32xbf16, #tpu.memory_space<vmem>>)
      %dma_wait3A_309 = arith.constant 1 : i32
      %dma_wait3A_310 = arith.constant 3 : i32
      %dma_wait3A_311 = arith.constant 384 : i32
      %dma_wait3A_312 = arith.constant 0 : i32
      %dma_wait3A_313 = tpu.memref_slice %arg11[%dma_wait3A_311, %dma_wait3A_312] : memref<512x32xbf16, #tpu.memory_space<vmem>> -> memref<128x32xbf16, #tpu.memory_space<vmem>>
      %dma_wait3A_314 = arith.constant 0 : i32
      %dma_wait3A_315 = tpu.memref_slice %arg7[%dma_wait3A_309, %dma_wait3A_310, %dma_wait3A_314] : memref<2x4x128xi32, #tpu.memory_space<vmem>> -> memref<1x1x128xi32, #tpu.memory_space<vmem>>
      %dma_wait3A_316 = tpu.memref_squeeze %dma_wait3A_315 : memref<1x1x128xi32, #tpu.memory_space<vmem>> -> memref<128xi32, #tpu.memory_space<vmem>>
      %dma_wait3A_317 = arith.constant 0 : i32
      %dma_wait3A_318 = arith.constant 0 : i32
      %dma_wait3A_319 = tpu.memref_slice %arg2[%dma_wait3A_317, %dma_wait3A_318] : memref<50000x32xbf16, #tpu.memory_space<hbm>> -> memref<50000x32xbf16, #tpu.memory_space<hbm>>
      tpu.wait_indirect_dma semaphore(%arg15 : memref<!tpu.dma_semaphore, #tpu.memory_space<semaphore_mem>>) src(%dma_wait3A_319 : memref<50000x32xbf16, #tpu.memory_space<hbm>>) dst(%dma_wait3A_313 : memref<128x32xbf16, #tpu.memory_space<vmem>>)
      %scan3A_320 = arith.constant 0 : i32
      %scan3A_321 = arith.constant 0 : i32
      %scan3A_322 = arith.constant 128 : i32
      %scan3A_323 = arith.addi %scan3A_321, %scan3A_322 : i32
      %scan3A_324 = arith.constant 1 : i32
      scf.for %scan3A_333 = %scan3A_321 to %scan3A_323 step %scan3A_324  : i32 {
        %mul3A_334 = arith.constant 4 : i32
        %mul3A_335 = arith.muli %scan3A_333, %mul3A_334 : i32
        %add3A_336 = arith.constant 0 : i32
        %add3A_337 = arith.addi %mul3A_335, %add3A_336 : i32
        %get3A = arith.index_cast %add3A_337 : i32 to index
        %get3A_338 = arith.constant 0 : index
        %get3A_339 = tpu.vector_load %arg9[%get3A, %get3A_338] {strides = array<i32>} : memref<512x32xbf16, #tpu.memory_space<vmem>>, vector<1x32xbf16>,
        %get3A_340 = vector.shape_cast %get3A_339 : vector<1x32xbf16> to vector<32xbf16>
        %get3A_341 = arith.index_cast %add3A_337 : i32 to index
        %get3A_342 = arith.constant 0 : index
        %get3A_343 = tpu.vector_load %arg11[%get3A_341, %get3A_342] {strides = array<i32>} : memref<512x32xbf16, #tpu.memory_space<vmem>>, vector<1x32xbf16>,
        %get3A_344 = vector.shape_cast %get3A_343 : vector<1x32xbf16> to vector<32xbf16>
        %mul3A_345 = arith.mulf %get3A_340, %get3A_344 : vector<32xbf16>
        %swap3A = arith.index_cast %scan3A_333 : i32 to index
        %swap3A_346 = arith.constant 0 : index
        %swap3A_347 = tpu.vector_load %arg13[%swap3A, %swap3A_346] {strides = array<i32>} : memref<128x128xbf16, #tpu.memory_space<vmem>>, vector<1x32xbf16>,
        %swap3A_348 = vector.shape_cast %swap3A_347 : vector<1x32xbf16> to vector<32xbf16>
        %swap3A_349 = vector.shape_cast %mul3A_345 : vector<32xbf16> to vector<1x32xbf16>
        tpu.vector_store %arg13[%swap3A, %swap3A_346], %swap3A_349 {strides = array<i32>} : memref<128x128xbf16, #tpu.memory_space<vmem>>, vector<1x32xbf16>,
        %mul3A_350 = arith.constant 4 : i32
        %mul3A_351 = arith.muli %scan3A_333, %mul3A_350 : i32
        %add3A_352 = arith.constant 1 : i32
        %add3A_353 = arith.addi %mul3A_351, %add3A_352 : i32
        %get3A_354 = arith.index_cast %add3A_353 : i32 to index
        %get3A_355 = arith.constant 0 : index
        %get3A_356 = tpu.vector_load %arg9[%get3A_354, %get3A_355] {strides = array<i32>} : memref<512x32xbf16, #tpu.memory_space<vmem>>, vector<1x32xbf16>,
        %get3A_357 = vector.shape_cast %get3A_356 : vector<1x32xbf16> to vector<32xbf16>
        %get3A_358 = arith.index_cast %add3A_353 : i32 to index
        %get3A_359 = arith.constant 0 : index
        %get3A_360 = tpu.vector_load %arg11[%get3A_358, %get3A_359] {strides = array<i32>} : memref<512x32xbf16, #tpu.memory_space<vmem>>, vector<1x32xbf16>,
        %get3A_361 = vector.shape_cast %get3A_360 : vector<1x32xbf16> to vector<32xbf16>
        %mul3A_362 = arith.mulf %get3A_357, %get3A_361 : vector<32xbf16>
        %swap3A_363 = arith.index_cast %scan3A_333 : i32 to index
        %swap3A_364 = arith.constant 32 : index
        %swap3A_365 = tpu.vector_load %arg13[%swap3A_363, %swap3A_364] {strides = array<i32>} : memref<128x128xbf16, #tpu.memory_space<vmem>>, vector<1x32xbf16>,
        %swap3A_366 = vector.shape_cast %swap3A_365 : vector<1x32xbf16> to vector<32xbf16>
        %swap3A_367 = vector.shape_cast %mul3A_362 : vector<32xbf16> to vector<1x32xbf16>
        tpu.vector_store %arg13[%swap3A_363, %swap3A_364], %swap3A_367 {strides = array<i32>} : memref<128x128xbf16, #tpu.memory_space<vmem>>, vector<1x32xbf16>,
        %mul3A_368 = arith.constant 4 : i32
        %mul3A_369 = arith.muli %scan3A_333, %mul3A_368 : i32
        %add3A_370 = arith.constant 2 : i32
        %add3A_371 = arith.addi %mul3A_369, %add3A_370 : i32
        %get3A_372 = arith.index_cast %add3A_371 : i32 to index
        %get3A_373 = arith.constant 0 : index
        %get3A_374 = tpu.vector_load %arg9[%get3A_372, %get3A_373] {strides = array<i32>} : memref<512x32xbf16, #tpu.memory_space<vmem>>, vector<1x32xbf16>,
        %get3A_375 = vector.shape_cast %get3A_374 : vector<1x32xbf16> to vector<32xbf16>
        %get3A_376 = arith.index_cast %add3A_371 : i32 to index
        %get3A_377 = arith.constant 0 : index
        %get3A_378 = tpu.vector_load %arg11[%get3A_376, %get3A_377] {strides = array<i32>} : memref<512x32xbf16, #tpu.memory_space<vmem>>, vector<1x32xbf16>,
        %get3A_379 = vector.shape_cast %get3A_378 : vector<1x32xbf16> to vector<32xbf16>
        %mul3A_380 = arith.mulf %get3A_375, %get3A_379 : vector<32xbf16>
        %swap3A_381 = arith.index_cast %scan3A_333 : i32 to index
        %swap3A_382 = arith.constant 64 : index
        %swap3A_383 = tpu.vector_load %arg13[%swap3A_381, %swap3A_382] {strides = array<i32>} : memref<128x128xbf16, #tpu.memory_space<vmem>>, vector<1x32xbf16>,
        %swap3A_384 = vector.shape_cast %swap3A_383 : vector<1x32xbf16> to vector<32xbf16>
        %swap3A_385 = vector.shape_cast %mul3A_380 : vector<32xbf16> to vector<1x32xbf16>
        tpu.vector_store %arg13[%swap3A_381, %swap3A_382], %swap3A_385 {strides = array<i32>} : memref<128x128xbf16, #tpu.memory_space<vmem>>, vector<1x32xbf16>,
        %mul3A_386 = arith.constant 4 : i32
        %mul3A_387 = arith.muli %scan3A_333, %mul3A_386 : i32
        %add3A_388 = arith.constant 3 : i32
        %add3A_389 = arith.addi %mul3A_387, %add3A_388 : i32
        %get3A_390 = arith.index_cast %add3A_389 : i32 to index
        %get3A_391 = arith.constant 0 : index
        %get3A_392 = tpu.vector_load %arg9[%get3A_390, %get3A_391] {strides = array<i32>} : memref<512x32xbf16, #tpu.memory_space<vmem>>, vector<1x32xbf16>,
        %get3A_393 = vector.shape_cast %get3A_392 : vector<1x32xbf16> to vector<32xbf16>
        %get3A_394 = arith.index_cast %add3A_389 : i32 to index
        %get3A_395 = arith.constant 0 : index
        %get3A_396 = tpu.vector_load %arg11[%get3A_394, %get3A_395] {strides = array<i32>} : memref<512x32xbf16, #tpu.memory_space<vmem>>, vector<1x32xbf16>,
        %get3A_397 = vector.shape_cast %get3A_396 : vector<1x32xbf16> to vector<32xbf16>
        %mul3A_398 = arith.mulf %get3A_393, %get3A_397 : vector<32xbf16>
        %swap3A_399 = arith.index_cast %scan3A_333 : i32 to index
        %swap3A_400 = arith.constant 96 : index
        %swap3A_401 = tpu.vector_load %arg13[%swap3A_399, %swap3A_400] {strides = array<i32>} : memref<128x128xbf16, #tpu.memory_space<vmem>>, vector<1x32xbf16>,
        %swap3A_402 = vector.shape_cast %swap3A_401 : vector<1x32xbf16> to vector<32xbf16>
        %swap3A_403 = vector.shape_cast %mul3A_398 : vector<32xbf16> to vector<1x32xbf16>
        tpu.vector_store %arg13[%swap3A_399, %swap3A_400], %swap3A_403 {strides = array<i32>} : memref<128x128xbf16, #tpu.memory_space<vmem>>, vector<1x32xbf16>,
      }
      %scan3A_325 = arith.constant 128 : i32
      %add3A_326 = arith.addi %mul3A_2, %add3A_224 : i32
      %mul3A_327 = arith.constant 128 : i32
      %mul3A_328 = arith.muli %add3A_326, %mul3A_327 : i32
      %dma_start3A_329 = arith.constant 0 : i32
      %dma_start3A_330 = tpu.memref_slice %arg5[%mul3A_328, %dma_start3A_329] : memref<204800x128xbf16, #tpu.memory_space<hbm>> -> memref<128x128xbf16, #tpu.memory_space<hbm>>
      %dma_start3A_331 = arith.constant 0 : i32
      %dma_start3A_332 = tpu.memref_slice %arg5[%mul3A_328, %dma_start3A_331] : memref<204800x128xbf16, #tpu.memory_space<hbm>> -> memref<128x128xbf16, #tpu.memory_space<hbm>>
      tpu.enqueue_dma source(%arg13 : memref<128x128xbf16, #tpu.memory_space<vmem>>) target(%dma_start3A_332 : memref<128x128xbf16, #tpu.memory_space<hbm>>) target_semaphore(%arg17 : memref<!tpu.dma_semaphore, #tpu.memory_space<semaphore_mem>>)
    }
    %scan3A_99 = arith.constant 25 : i32
    %dma_wait3A = arith.constant 0 : i32
    %dma_wait3A_100 = arith.constant 0 : i32
    %dma_wait3A_101 = tpu.memref_slice %arg5[%dma_wait3A, %dma_wait3A_100] : memref<204800x128xbf16, #tpu.memory_space<hbm>> -> memref<128x128xbf16, #tpu.memory_space<hbm>>
    %dma_wait3A_102 = arith.constant 0 : i32
    %dma_wait3A_103 = arith.constant 0 : i32
    %dma_wait3A_104 = tpu.memref_slice %arg5[%dma_wait3A_102, %dma_wait3A_103] : memref<204800x128xbf16, #tpu.memory_space<hbm>> -> memref<128x128xbf16, #tpu.memory_space<hbm>>
    tpu.wait_dma2 semaphore(%arg16 : memref<!tpu.dma_semaphore, #tpu.memory_space<semaphore_mem>>) src(%arg12 : memref<128x128xbf16, #tpu.memory_space<vmem>>) dst(%dma_wait3A_104 : memref<128x128xbf16, #tpu.memory_space<hbm>>)
    %dma_wait3A_105 = arith.constant 0 : i32
    %dma_wait3A_106 = arith.constant 0 : i32
    %dma_wait3A_107 = tpu.memref_slice %arg5[%dma_wait3A_105, %dma_wait3A_106] : memref<204800x128xbf16, #tpu.memory_space<hbm>> -> memref<128x128xbf16, #tpu.memory_space<hbm>>
    %dma_wait3A_108 = arith.constant 0 : i32
    %dma_wait3A_109 = arith.constant 0 : i32
    %dma_wait3A_110 = tpu.memref_slice %arg5[%dma_wait3A_108, %dma_wait3A_109] : memref<204800x128xbf16, #tpu.memory_space<hbm>> -> memref<128x128xbf16, #tpu.memory_space<hbm>>
    tpu.wait_dma2 semaphore(%arg17 : memref<!tpu.dma_semaphore, #tpu.memory_space<semaphore_mem>>) src(%arg13 : memref<128x128xbf16, #tpu.memory_space<vmem>>) dst(%dma_wait3A_110 : memref<128x128xbf16, #tpu.memory_space<hbm>>)
    return
  }
}

module attributes {stable_mosaic.version = 14 : i64} {
  func.func @body(%arg0: i32, %arg1: memref<4000x128xbf16, #tpu.memory_space<vmem>>, %arg2: memref<1x4000x4xf32, #tpu.memory_space<vmem>>, %arg3: memref<128x128xf32, #tpu.memory_space<vmem>>, %arg4: memref<1x128xf32, #tpu.memory_space<vmem>>, %arg5: memref<1x128xf32, #tpu.memory_space<vmem>>, %arg6: memref<128x4xf32, #tpu.memory_space<vmem>>, %arg7: memref<1x1xf32, #tpu.memory_space<vmem>>, %arg8: memref<1x1xf32, #tpu.memory_space<vmem>>) attributes {dimension_semantics = [#tpu.dimension_semantics<arbitrary>], iteration_bounds = array<i64: 50>, scalar_prefetch = 0 : i64, scratch_operands = 0 : i64, tpu.core_type = #tpu.core_type<tc>, window_params = [{transform_indices = @transform_0, window_bounds = array<i64: 4000, 128>}, {transform_indices = @transform_1, window_bounds = array<i64: 1, 4000, 4>}, {pipeline_mode = #tpu.pipeline_mode<synchronous>, transform_indices = @transform_2, window_bounds = array<i64: 128, 128>}, {pipeline_mode = #tpu.pipeline_mode<synchronous>, transform_indices = @transform_3, window_bounds = array<i64: 1, 128>}, {pipeline_mode = #tpu.pipeline_mode<synchronous>, transform_indices = @transform_4, window_bounds = array<i64: 1, 128>}, {pipeline_mode = #tpu.pipeline_mode<synchronous>, transform_indices = @transform_5, window_bounds = array<i64: 128, 4>}, {pipeline_mode = #tpu.pipeline_mode<synchronous>, transform_indices = @transform_6, window_bounds = array<i64: 1, 1>}, {pipeline_mode = #tpu.pipeline_mode<synchronous>, transform_indices = @transform_7, window_bounds = array<i64: 1, 1>}]} {
    %get3A = arith.constant 0 : index
    %get3A_0 = arith.constant 0 : index
    %get3A_1 = vector.load %arg1[%get3A, %get3A_0] : memref<4000x128xbf16, #tpu.memory_space<vmem>>, vector<4000x128xbf16>
    %convert_element_type3A = arith.extf %get3A_1 : vector<4000x128xbf16> to vector<4000x128xf32>
    %get3A_2 = arith.constant 0 : index
    %get3A_3 = arith.constant 0 : index
    %get3A_4 = vector.load %arg3[%get3A_2, %get3A_3] : memref<128x128xf32, #tpu.memory_space<vmem>>, vector<128x128xf32>
    %dot_general3A = arith.constant dense<0.000000e+00> : vector<4000x128xf32>
    %dot_general3A_5 = tpu.matmul %convert_element_type3A, %get3A_4, %dot_general3A {dimension_numbers = #tpu.dot_dimension_numbers<[1], [0], [0], [1], [0, 0, 1, 1], [], []>, transpose_lhs_hint = false} : vector<4000x128xf32>, vector<128x128xf32>, vector<4000x128xf32> -> vector<4000x128xf32>
    %get3A_6 = arith.constant 0 : index
    %get3A_7 = arith.constant 0 : index
    %get3A_8 = vector.load %arg4[%get3A_6, %get3A_7] : memref<1x128xf32, #tpu.memory_space<vmem>>, vector<1x128xf32>
    %add3A = vector.broadcast %get3A_8 : vector<1x128xf32> to vector<4000x128xf32>
    %add3A_9 = arith.addf %dot_general3A_5, %add3A : vector<4000x128xf32>
    %max3A = arith.constant 0.000000e+00 : f32
    %max3A_10 = vector.broadcast %max3A : f32 to vector<4000x128xf32>
    %max3A_11 = arith.maximumf %add3A_9, %max3A_10 : vector<4000x128xf32>
    %get3A_12 = arith.constant 0 : index
    %get3A_13 = arith.constant 0 : index
    %get3A_14 = vector.load %arg5[%get3A_12, %get3A_13] : memref<1x128xf32, #tpu.memory_space<vmem>>, vector<1x128xf32>
    %mul3A = vector.broadcast %get3A_14 : vector<1x128xf32> to vector<4000x128xf32>
    %mul3A_15 = arith.mulf %max3A_11, %mul3A : vector<4000x128xf32>
    %get3A_16 = arith.constant 0 : index
    %get3A_17 = arith.constant 0 : index
    %get3A_18 = vector.load %arg6[%get3A_16, %get3A_17] : memref<128x4xf32, #tpu.memory_space<vmem>>, vector<128x4xf32>
    %dot_general3A_19 = arith.constant dense<0.000000e+00> : vector<4000x4xf32>
    %dot_general3A_20 = tpu.matmul %mul3A_15, %get3A_18, %dot_general3A_19 {dimension_numbers = #tpu.dot_dimension_numbers<[1], [0], [0], [1], [0, 0, 1, 1], [], []>, transpose_lhs_hint = false} : vector<4000x128xf32>, vector<128x4xf32>, vector<4000x4xf32> -> vector<4000x4xf32>
    %get3A_21 = arith.constant 0 : index
    %get3A_22 = arith.constant 0 : index
    %get3A_23 = vector.load %arg7[%get3A_21, %get3A_22] : memref<1x1xf32, #tpu.memory_space<vmem>>, vector<1x1xf32>
    %add3A_24 = vector.broadcast %get3A_23 : vector<1x1xf32> to vector<4000x4xf32>
    %add3A_25 = arith.addf %dot_general3A_20, %add3A_24 : vector<4000x4xf32>
    %neg3A = arith.constant 0.000000e+00 : f32
    %neg3A_26 = vector.broadcast %neg3A : f32 to vector<4000x4xf32>
    %neg3A_27 = arith.subf %neg3A_26, %add3A_25 : vector<4000x4xf32>
    %exp3A = math.exp %neg3A_27 : vector<4000x4xf32>
    %add3A_28 = arith.constant 1.000000e+00 : f32
    %add3A_29 = vector.broadcast %add3A_28 : f32 to vector<4000x4xf32>
    %add3A_30 = arith.addf %add3A_29, %exp3A : vector<4000x4xf32>
    %div3A = arith.constant 1.000000e+00 : f32
    %div3A_31 = vector.broadcast %div3A : f32 to vector<4000x4xf32>
    %div3A_32 = arith.divf %div3A_31, %add3A_30 : vector<4000x4xf32>
    %exp3A_33 = math.exp %div3A_32 : vector<4000x4xf32>
    %sub3A = arith.constant 1.000000e+00 : f32
    %sub3A_34 = vector.broadcast %sub3A : f32 to vector<4000x4xf32>
    %sub3A_35 = arith.subf %sub3A_34, %div3A_32 : vector<4000x4xf32>
    %exp3A_36 = math.exp %sub3A_35 : vector<4000x4xf32>
    %add3A_37 = arith.addf %exp3A_33, %exp3A_36 : vector<4000x4xf32>
    %log3A = math.log %add3A_37 : vector<4000x4xf32>
    %get3A_38 = arith.constant 0 : index
    %get3A_39 = arith.constant 0 : index
    %get3A_40 = arith.constant 0 : index
    %get3A_41 = vector.load %arg2[%get3A_38, %get3A_39, %get3A_40] : memref<1x4000x4xf32, #tpu.memory_space<vmem>>, vector<1x4000x4xf32>
    %get3A_42 = vector.shape_cast %get3A_41 : vector<1x4000x4xf32> to vector<4000x4xf32>
    %mul3A_43 = arith.constant 2.000000e+00 : f32
    %mul3A_44 = vector.broadcast %mul3A_43 : f32 to vector<4000x4xf32>
    %mul3A_45 = arith.mulf %mul3A_44, %div3A_32 : vector<4000x4xf32>
    %sub3A_46 = arith.constant 1.000000e+00 : f32
    %sub3A_47 = vector.broadcast %sub3A_46 : f32 to vector<4000x4xf32>
    %sub3A_48 = arith.subf %sub3A_47, %mul3A_45 : vector<4000x4xf32>
    %mul3A_49 = arith.mulf %get3A_42, %sub3A_48 : vector<4000x4xf32>
    %add3A_50 = arith.addf %div3A_32, %mul3A_49 : vector<4000x4xf32>
    %sub3A_51 = arith.subf %log3A, %add3A_50 : vector<4000x4xf32>
    %reduce_sum3A = vector.shape_cast %sub3A_51 : vector<4000x4xf32> to vector<1x4000x4xf32>
    %reduce_sum3A_52 = arith.constant dense<0.000000e+00> : vector<1xf32>
    %reduce_sum3A_53 = vector.multi_reduction <add>, %reduce_sum3A, %reduce_sum3A_52 [1, 2] : vector<1x4000x4xf32> to vector<1xf32>
    %reduce_sum3A_54 = vector.shape_cast %reduce_sum3A_53 : vector<1xf32> to vector<1x1x1xf32>
    %reduce_sum3A_55 = vector.extract %reduce_sum3A_54[0, 0, 0] : f32 from vector<1x1x1xf32>
    %reshape3A = vector.broadcast %reduce_sum3A_55 : f32 to vector<1x1xf32>
    %eq3A = arith.constant 0 : i32
    %eq3A_56 = arith.cmpi eq, %arg0, %eq3A : i32
    %convert_element_type3A_57 = arith.extui %eq3A_56 : i1 to i32
    %cond3A = arith.constant 0 : i32
    %cond3A_58 = arith.cmpi ne, %convert_element_type3A_57, %cond3A : i32
    scf.if %cond3A_58 {
      %broadcast_in_dim3A = arith.constant 0.000000e+00 : f32
      %broadcast_in_dim3A_65 = vector.broadcast %broadcast_in_dim3A : f32 to vector<1x1xf32>
      %swap3A_66 = arith.constant 0 : index
      %swap3A_67 = arith.constant 0 : index
      %swap3A_68 = vector.load %arg8[%swap3A_66, %swap3A_67] : memref<1x1xf32, #tpu.memory_space<vmem>>, vector<1x1xf32>
      tpu.vector_store %arg8[%swap3A_66, %swap3A_67], %broadcast_in_dim3A_65 {strides = array<i32>} : memref<1x1xf32, #tpu.memory_space<vmem>>, vector<1x1xf32>,
    } else {
    }
    %get3A_59 = arith.constant 0 : index
    %get3A_60 = arith.constant 0 : index
    %get3A_61 = vector.load %arg8[%get3A_59, %get3A_60] : memref<1x1xf32, #tpu.memory_space<vmem>>, vector<1x1xf32>
    %add3A_62 = arith.addf %get3A_61, %reshape3A : vector<1x1xf32>
    %swap3A = arith.constant 0 : index
    %swap3A_63 = arith.constant 0 : index
    %swap3A_64 = vector.load %arg8[%swap3A, %swap3A_63] : memref<1x1xf32, #tpu.memory_space<vmem>>, vector<1x1xf32>
    tpu.vector_store %arg8[%swap3A, %swap3A_63], %add3A_62 {strides = array<i32>} : memref<1x1xf32, #tpu.memory_space<vmem>>, vector<1x1xf32>,
    return
  }
  func.func @transform_0(%arg0: i32) -> (i32, i32) {
    %c0_i32 = arith.constant 0 : i32
    %c0_i32_0 = arith.constant 0 : i32
    return %arg0, %c0_i32 : i32, i32
  }
  func.func @transform_1(%arg0: i32) -> (i32, i32, i32) {
    %c0_i32 = arith.constant 0 : i32
    %c0_i32_0 = arith.constant 0 : i32
    %c0_i32_1 = arith.constant 0 : i32
    return %arg0, %c0_i32, %c0_i32_0 : i32, i32, i32
  }
  func.func @transform_2(%arg0: i32) -> (i32, i32) {
    %c0_i32 = arith.constant 0 : i32
    %c0_i32_0 = arith.constant 0 : i32
    %c0_i32_1 = arith.constant 0 : i32
    return %c0_i32, %c0_i32_0 : i32, i32
  }
  func.func @transform_3(%arg0: i32) -> (i32, i32) {
    %c0_i32 = arith.constant 0 : i32
    %c0_i32_0 = arith.constant 0 : i32
    %c0_i32_1 = arith.constant 0 : i32
    return %c0_i32, %c0_i32_0 : i32, i32
  }
  func.func @transform_4(%arg0: i32) -> (i32, i32) {
    %c0_i32 = arith.constant 0 : i32
    %c0_i32_0 = arith.constant 0 : i32
    %c0_i32_1 = arith.constant 0 : i32
    return %c0_i32, %c0_i32_0 : i32, i32
  }
  func.func @transform_5(%arg0: i32) -> (i32, i32) {
    %c0_i32 = arith.constant 0 : i32
    %c0_i32_0 = arith.constant 0 : i32
    %c0_i32_1 = arith.constant 0 : i32
    return %c0_i32, %c0_i32_0 : i32, i32
  }
  func.func @transform_6(%arg0: i32) -> (i32, i32) {
    %c0_i32 = arith.constant 0 : i32
    %c0_i32_0 = arith.constant 0 : i32
    %c0_i32_1 = arith.constant 0 : i32
    return %c0_i32, %c0_i32_0 : i32, i32
  }
  func.func @transform_7(%arg0: i32) -> (i32, i32) {
    %c0_i32 = arith.constant 0 : i32
    %c0_i32_0 = arith.constant 0 : i32
    %c0_i32_1 = arith.constant 0 : i32
    return %c0_i32, %c0_i32_0 : i32, i32
  }
}

</mosaic_0001>

<sc_bundles>
// kernel: kernel.4.cloned.1.call-start
scs
__scs_entry_jumppad:
0x0: {  	(pc) =	sbr.rel $0x88, $3  }
0x1: {  	(tag) =	ssettag $0x0;
	lr =	simm.s32 $0x1  }
0x2: {  	[smem:$0x3F9A] =	sst lr;
	_ =	strace $0xD0000000  }
0x3: {  	_ = 	snop  }
0x4: {  	_ = 	snop  }
0x5: {  	_ = 	snop  }
0x6: {  	_ = 	snop  }
0x7: {  	_ = 	snop  }
__scs_overlays_trampoline_lowered:
0x8: {  	[smem:$0x3FA9] =	sst s0  }
0x9: {  	[smem:$0x3FAA] =	sst s1  }
0xa: {  	[smem:$0x3FAB] =	sst s2  }
0xb: {  	[smem:$0x3FAC] =	sst s3  }
0xc: {  	[smem:$0x3FAD] =	sst s4  }
0xd: {  	[smem:$0x3FAE] =	sst s5  }
0xe: {  	[smem:$0x3FAF] =	sst s6  }
0xf: {  	[smem:$0x3FB0] =	sst s7  }
0x10: {  	[smem:$0x3FB1] =	sst s8  }
0x11: {  	[smem:$0x3FB2] =	sst s9;
	s0 =	simm.s32 @!p0 $0x0  }
0x12: {  	s1 =	sld [smem:$0x3F98];
	s0 =	simm.s32 @p0 $0x1  }
0x13: {  	[smem:$0x3FB3] =	sst s0;
	s0 =	simm.s32 @!p1 $0x0  }
0x14: {  	s2 =	sld [smem:$0x3F97];
	s0 =	simm.s32 @p1 $0x1  }
0x15: {  	[smem:$0x3FB4] =	sst s0;
	s0 =	simm.s32 @!p2 $0x0  }
0x16: {  	s3 =	sld [smem:$0x3FDB];
	s0 =	simm.s32 @p2 $0x1  }
0x17: {  	s4 =	simm.s32 $0x1BF5;
	[smem:$0x3FB6] =	sst s0  }
0x18: {  	s0 =	sld [smem:$0x3F99];
	_ =	swait.ge [sflag:s4], $0x0  }
0x19: {  	s7 =	sld [smem:$0x3F9A]  }
0x1a: {  	s8 =	sadd.s32 $0xFFFFE003, lr  }
0x1b: {  	s9 =	sadd.s32 $0xFFFFFEF7, lr;
	s5 =	simm.s32 $0xFFFFFFFF;
	p2 =	slt.u32 s8, $0xFFFFF086  }
0x1c: {  	p1 =	slt.u32 s9, $0xF7A;
	s5 =	simm.s32 @!p2 $0x0  }
0x1d: {  	s5 =	simm.s32 @p1 $0x1;
	p0 =	seq.s32 s7, s2  }
0x1e: {  	s7 =	smul.u32 @!p0 $0xF7A, s2;
	p2 =	seq.s32 @!p0 s5, $0x0  }
0x1f: {  	s9 =	smul.u32 $0xF7A, s1;
	s8 =	simm.s32 @!p0 $0x1BF5;
	p2 =	por !p2, p0  }
0x20: {  	[sflag:s8] =	ssyncset.s32 @!p0 $0xFFFFF086;
	s6 =	sadd.s32 @!p0 s3, s7;
	s7 =	simm.s32 @!p0 $0x108  }
0x21: {  	s3 =	sadd.s32 s3, s9;
	s6 =	sadd.s32 @!p0 $0x88, s6;
	s7 =	simm.s32 @p2 $0x1082  }
0x22: {  	[simem:s7], [sflag:s8] =	dma.local @!p0 [hbm:s6], $0xF7A  }
0x23: {  	s9 =	sor.u32 $0xD0000000, s2;
	s6 =	simm.s32 $0x108;
	_ =	swait.ge @!p0 [sflag:s8], $0x0  }
0x24: {  	s3 =	sadd.s32 $0x88, s3;
	s6 =	simm.s32 @!p1 $0x1082;
	[sflag:s4] =	ssyncset.s32 $0xFFFFF086  }
0x25: {  	[simem:s6], [sflag:s4] =	dma.local [hbm:s3], $0xF7A  }
0x26: {  	[smem:$0x3F9A] =	sst s1;
	(tag) =	ssettag s2;
	_ =	strace s9  }
0x27: {  	s1 =	sld [smem:$0x3FAA]  }
0x28: {  	s2 =	sld [smem:$0x3FAB]  }
0x29: {  	s4 =	sld [smem:$0x3FAD]  }
0x2a: {  	p0 =	seq.s32 s5, $0x0;
	s5 =	sld [smem:$0x3FAE]  }
0x2b: {  	s6 =	sld [smem:$0x3FAF]  }
0x2c: {  	s7 =	sld [smem:$0x3FB0]  }
0x2d: {  	s3 =	simm.s32 $0x108;
	s8 =	sld [smem:$0x3FB1]  }
0x2e: {  	s3 =	simm.s32 @!p0 $0x1082;
	s9 =	sld [smem:$0x3FB2]  }
0x2f: {  	lr =	sadd.s32 s0, s3;
	s0 =	sld [smem:$0x3FA9]  }
0x30: {  	s3 =	sld [smem:$0x3FAC]  }
0x31: {  	[smem:$0x3FB5] =	sst s10  }
0x32: {  	s10 =	sld [smem:$0x3FB3];
	_ =	sdelay $0x3  }
0x33: {  	p0 =	seq.s32 s10, $0x1;
	s10 =	sld [smem:$0x3FB5];
	_ =	sdelay $0x3  }
0x34: {  	[smem:$0x3FB5] =	sst s10  }
0x35: {  	s10 =	sld [smem:$0x3FB4];
	_ =	sdelay $0x3  }
0x36: {  	p1 =	seq.s32 s10, $0x1;
	s10 =	sld [smem:$0x3FB5];
	_ =	sdelay $0x3  }
0x37: {  	[smem:$0x3FB5] =	sst s10  }
0x38: {  	s10 =	sld [smem:$0x3FB6]  }
0x39: {  	_ = 	snop;
	(pc) =	sbr.ind lr, $3  }
0x3a: {  	_ = 	snop  }
0x3b: {  	_ = 	snop  }
0x3c: {  	p2 =	seq.s32 s10, $0x1;
	s10 =	sld [smem:$0x3FB5]  }
0x3d: {  	_ =	shalt  }
0x3e: {  	_ =	shalt  }
0x3f: {  	_ =	shalt  }
0x40: {  	_ =	shalt  }
0x41: {  	_ =	shalt  }
0x42: {  	_ =	shalt  }
0x43: {  	_ =	shalt  }
0x44: {  	_ =	shalt  }
0x45: {  	_ =	shalt  }
0x46: {  	_ =	shalt  }
0x47: {  	_ =	shalt  }
0x48: {  	_ =	shalt  }
0x49: {  	_ =	shalt  }
0x4a: {  	_ =	shalt  }
0x4b: {  	_ =	shalt  }
0x4c: {  	_ =	shalt  }
0x4d: {  	_ =	shalt  }
0x4e: {  	_ =	shalt  }
0x4f: {  	_ =	shalt  }
0x50: {  	_ =	shalt  }
0x51: {  	_ =	shalt  }
0x52: {  	_ =	shalt  }
0x53: {  	_ =	shalt  }
0x54: {  	_ =	shalt  }
0x55: {  	_ =	shalt  }
0x56: {  	_ =	shalt  }
0x57: {  	_ =	shalt  }
0x58: {  	_ =	shalt  }
0x59: {  	_ =	shalt  }
0x5a: {  	_ =	shalt  }
0x5b: {  	_ =	shalt  }
0x5c: {  	_ =	shalt  }
0x5d: {  	_ =	shalt  }
0x5e: {  	_ =	shalt  }
0x5f: {  	_ =	shalt  }
0x60: {  	_ =	shalt  }
0x61: {  	_ =	shalt  }
0x62: {  	_ =	shalt  }
0x63: {  	_ =	shalt  }
0x64: {  	_ =	shalt  }
0x65: {  	_ =	shalt  }
0x66: {  	_ =	shalt  }
0x67: {  	_ =	shalt  }
0x68: {  	_ =	shalt  }
0x69: {  	_ =	shalt  }
0x6a: {  	_ =	shalt  }
0x6b: {  	_ =	shalt  }
0x6c: {  	_ =	shalt  }
0x6d: {  	_ =	shalt  }
0x6e: {  	_ =	shalt  }
0x6f: {  	_ =	shalt  }
0x70: {  	_ =	shalt  }
0x71: {  	_ =	shalt  }
0x72: {  	_ =	shalt  }
0x73: {  	_ =	shalt  }
0x74: {  	_ =	shalt  }
0x75: {  	_ =	shalt  }
0x76: {  	_ =	shalt  }
0x77: {  	_ =	shalt  }
0x78: {  	_ =	shalt  }
0x79: {  	_ =	shalt  }
0x7a: {  	_ =	shalt  }
0x7b: {  	_ =	shalt  }
0x7c: {  	_ =	shalt  }
0x7d: {  	_ =	shalt  }
0x7e: {  	_ =	shalt  }
0x7f: {  	_ =	shalt  }
0x80: {  	_ =	shalt  }
0x81: {  	_ =	shalt  }
0x82: {  	_ =	shalt  }
0x83: {  	_ =	shalt  }
0x84: {  	_ =	shalt  }
0x85: {  	_ =	shalt  }
0x86: {  	_ =	shalt  }
0x87: {  	_ =	shalt  }
.Lfunc_end0:
.L_simem_size_0:
called_computation_lowered:
.L_overlay_start_0:
0x88: {  	s2 =	sld [smem:$0x3FD9]  }
0x89: {  	s3 =	sld [smem:$0x3FFE];
	_ =	sdelay $0x1  }
0x8a: {  	s1 =	srdreg.scid  }
0x8b: {  	s0 =	sand.u32 $0x1, s1  }
0x8c: {  	s16 =	sshll.u32 s0, $0xA;
	s2 =	sadd.s32 s3, s2  }
0x8d: {  	s2 =	sadd.s32 s2, s16  }
0x8e: {  	[smem:$0x3FC1] =	sst s2  }
0x8f: {  	_ = 	snop  }
0x90: {  	(tm) =	ssettm $0x1  }
0x91: {  	s17 =	sld [smem:$0x3FFB];
	_ =	sdelay $0x3  }
0x92: {  	_ =	strace s17  }
0x93: {  	s2 =	sld [smem:$0x3FFC];
	_ =	sdelay $0x3  }
0x94: {  	_ =	strace s2  }
0x95: {  	s2 =	sld [smem:$0x3FFD];
	_ =	sdelay $0x3  }
0x96: {  	_ =	strace s2  }
0x97: {  	_ =	strace $0x8FFFFFFF  }
0x98: {  	s18 =	sld [smem:$0x3FDB];
	_ =	sdelay $0x1  }
0x99: {  	s19 =	simm.s32 $_scs_section_size  }
0x9a: {  	s4 =	simm.s32 $_size__tile_overlayer_lowered;
	s5 =	simm.s32 $_tile_overlayer_lowered  }
0x9b: {  	s22 =	simm.s32 $0x1BFF;
	s21 =	sshll.u32 s5, $0x1;
	s2 =	sadd.s32 s19, s18  }
0x9c: {  	s6 =	simm.s32 $0x0;
	s20 =	sshll.u32 s4, $0x1;
	s4 =	sadd.s32 s21, s2  }
0x9d: {  	[timem:s6], [sflag:s22] =	dma.local [hbm:s4], s20  }
0x9e: {  	_ =	swait.ge [sflag:s22], s20  }
0x9f: {  	s3 =	ssub.s32 $0x0, s20;
	[sflag:s22] =	ssyncset.done $0x0  }
0xa0: {  	[sflag:s22] =	ssyncadd.s32 s3;
	_ =	sdelay $0x1  }
0xa1: {  	s23 =	simm.s32 $0x1B8B  }
0xa2: {  	_ =	swait.ge [sflag:s23], $0x1  }
0xa3: {  	[sflag:s23] =	ssyncset.done $0x0  }
0xa4: {  	s25 =	simm.s32 $0x1B8E;
	s24 =	sld [smem:$0x3FFE];
	[sflag:s23] =	ssyncadd.s32 $0xFFFFFFFF  }
0xa5: {  	s26 =	simm.s32 $execute0_lowered;
	[smem:$0x3FD2] =	sst s25  }
0xa6: {  	s4 =	sshll.u32 s26, $0x1;
	_ =	strace $0x80000046;
	[dreg:$0x1] =	wrdreg $0xFFFFFFFF  }
0xa7: {  	s28 =	simm.s32 $_size_execute0_lowered;
	s2 =	sadd.s32 s2, s4;
	[dreg:$0x0] =	wrdreg $0x0  }
0xa8: {  	s4 =	sshll.u32 s28, $0x1;
	[dreg:$0x2] =	wrdreg s2  }
0xa9: {  	[dreg:$0x3] =	wrdreg s4  }
0xaa: {  	[dreg:$0x4] =	wrdreg $0xC0  }
0xab: {  	_ =	task [dreg:s6], $0x5FFFF  }
0xac: {  	[dreg:$0x1] =	wrdreg $0xFFFFFFFF  }
0xad: {  	[dreg:$0x0] =	wrdreg $0x60  }
0xae: {  	[dreg:$0x2] =	wrdreg s24  }
0xaf: {  	[dreg:$0x3] =	wrdreg $0x9  }
0xb0: {  	_ =	task.clear_ibuf [dreg:s6], $0x4FFFF;
	_ =	strace $0x90000046  }
0xb1: {  	s29 =	simm.s32 $0x9;
	_ =	strace $0x80000048  }
0xb2: {  	_ =	swait.ge [sflag:s29], $0x1  }
0xb3: {  	[sflag:s29] =	ssyncadd.s32 $0xFFFFFFFF  }
0xb4: {  	_ =	strace $0x90000048  }
0xb5: {  	_ =	sfence  }
0xb6: {  	s30 =	sld [smem:$0x0];
	_ =	sdelay $0x2  }
0xb7: {  	s31 =	sshll.u32 s1, $0xD;
	s1 =	sshrl.u32 s1, $0x2  }
0xb8: {  	s3 =	sand.u32 $0x4000, s31;
	s1 =	sadd.s32 s1, s30  }
0xb9: {  	s0 =	sor.u32 s3, s0;
	s1 =	sshll.u32 s1, $0x11  }
0xba: {  	s0 =	sor.u32 s1, s0  }
0xbb: {  	s0 =	sadd.s32 $0x8F2B, s0  }
0xbc: {  	[sflag:s0] =	ssyncadd.remote.s32 $0x1  }
0xbd: {  	_ =	sfence.sel $0xFFFF  }
0xbe: {  	[dreg:$0x0] =	wrdreg $0xFFFFFFFF;
	(pc) =	sbr.abs _section_cstart, $3  }
0xbf: {  	[dreg:$0x1] =	wrdreg $0xFFFFFFFF  }
0xc0: {  	_ =	task.clear_ibuf [dreg:s6], $0x2FFFF;
	_ =	strace $0x9FFFFFFF  }
0xc1: {  	(tm) =	ssettm $0x7FFFFFFF  }
tec
execute0_lowered:
.L_overlay_start_1:
0x0: {  	(tag) =	ssettag $0x1  }
0x1: {  	s0 =	rddreg [dreg:$0x0];
	s2 =	simm.s32 $0x0  }
0x2: {  	s1 =	srdreg.scid;
	s3 =	stileid.u32;
	s12 =	simm.s32 $0x5  }
0x3: {  	s14 =	simm.s32 $0x80;
	s29 =	simm.s32 $0x200;
	s30 =	simm.s32 $0x600  }
0x4: {  	s16 =	simm.s32 $0x680;
	s17 =	simm.s32 $0x7000;
	s18 =	simm.s32 $0x300  }
0x5: {  	s19 =	simm.s32 $0x3800;
	s20 =	simm.s32 $0x700;
	s21 =	simm.s32 $0x7800  }
0x6: {  	s22 =	simm.s32 $0x380;
	s23 =	simm.s32 $0x4000;
	s24 =	simm.s32 $0x780  }
0x7: {  	s28 =	simm.s32 $0x8800;
	s13 =	simm.s32 $0x2;
	[smem:$0x7FF] =	sst s2  }
0x8: {  	s1 =	sand.u32 $0x1, s1;
	s4 =	sshll.u32 s3, $0x1;
	s3 =	sadd.s32 $0x1400, s0  }
0x9: {  	s5 =	sadd.s32 $0x32C00, s0;
	s7 =	sadd.s32 $0x4BC00, s0;
	s6 =	sor.u32 s1, s4  }
0xa: {  	_ =	strace $0x80000047;
	s1 =	ssub.s32 $0x2, s1;
	s8 =	smul.u32 $0xC80, s6  }
0xb: {  	s4 =	sadd.s32 $0x19C00, s0;
	s9 =	sshrl.u32 s1, $0x1;
	s6 =	smul.u32 $0x32, s6  }
0xc: {  	s25 =	ssub.s32 s1, s9;
	s9 =	simm.s32 $0x0;
	s26 =	sadd.s32 s4, s8  }
0xd: {  	s31 =	sadd.s32 s5, s8;
	s10 =	sadd.s32 $0x2, s6;
	[dreg:$0x2] =	wrdreg s26  }
0xe: {  	s0 =	smax.u32 s25, $0x1;
	s25 =	simm.s32 $0x8000;
	[dreg:$0x3] =	wrdreg s31  }
0xf: {  	s8 =	simm.s32 $0xA800;
	[dreg:$0x4] =	wrdreg s0;
	s26 =	simm.s32 $0x1  }
.LBB2_1:
0x10: {  	[dreg:$0x5] =	wrdreg s9  }
0x11: {  	s0 =	rddreg [dreg:$0x2]  }
0x12: {  	[tilespmem:s2], [sflag:$0x5] =	stream.linear.gather [hbm4b:s0+s2], $0x200, $0x38;
	[tilespmem:$0xC800] =	vst v63  }
0x13: {  	_ =	swait.ge [sflag:s12], $0x200  }
0x14: {  	[sflag:s12] =	ssyncset.done $0x0  }
0x15: {  	s1 =	simm.s32 $0x400;
	s15 =	rddreg [dreg:$0x3];
	[sflag:s12] =	ssyncadd.s32 $0xFFFFFE00  }
0x16: {  	[tilespmem:s1], [sflag:$0x5] =	stream.linear.gather [hbm4b:s15+s2], $0x200, $0x38;
	[tilespmem:$0xC800] =	vst v63  }
0x17: {  	_ =	swait.ge [sflag:s12], $0x200  }
0x18: {  	[sflag:s12] =	ssyncset.done $0x0  }
0x19: {  	s31 =	simm.s32 $0x800;
	[sflag:s12] =	ssyncadd.s32 $0xFFFFFE00  }
0x1a: {  	[tilespmem:s31], [sflag:$0x1] =	stream.indirect.gather [hbm4b:s3+s14], $0x10, s2, s14, $0xb8;
	[tilespmem:$0xC800] =	vst v63  }
0x1b: {  	s9 =	simm.s32 $0x4800  }
0x1c: {  	[tilespmem:s9], [sflag:$0x1] =	stream.indirect.gather [hbm4b:s3+s14], $0x10, s1, s14, $0xb8;
	[tilespmem:$0xC800] =	vst v63  }
0x1d: {  	s11 =	simm.s32 $0x1000  }
0x1e: {  	[tilespmem:s11], [sflag:$0x1] =	stream.indirect.gather [hbm4b:s3+s14], $0x10, s14, s14, $0xb8;
	[tilespmem:$0xC800] =	vst v63  }
0x1f: {  	s15 =	simm.s32 $0x480;
	s31 =	simm.s32 $0x5000  }
0x20: {  	[tilespmem:s31], [sflag:$0x1] =	stream.indirect.gather [hbm4b:s3+s14], $0x10, s15, s14, $0xb8;
	[tilespmem:$0xC800] =	vst v63  }
0x21: {  	s9 =	simm.s32 $0x100;
	s11 =	simm.s32 $0x1800  }
0x22: {  	[tilespmem:s11], [sflag:$0x1] =	stream.indirect.gather [hbm4b:s3+s14], $0x10, s9, s14, $0xb8;
	[tilespmem:$0xC800] =	vst v63  }
0x23: {  	s15 =	simm.s32 $0x500;
	s31 =	simm.s32 $0x5800  }
0x24: {  	[tilespmem:s31], [sflag:$0x1] =	stream.indirect.gather [hbm4b:s3+s14], $0x10, s15, s14, $0xb8;
	[tilespmem:$0xC800] =	vst v63  }
0x25: {  	s9 =	simm.s32 $0x180;
	s11 =	simm.s32 $0x2000  }
0x26: {  	[tilespmem:s11], [sflag:$0x1] =	stream.indirect.gather [hbm4b:s3+s14], $0x10, s9, s14, $0xb8;
	[tilespmem:$0xC800] =	vst v63  }
0x27: {  	s15 =	simm.s32 $0x580;
	s31 =	simm.s32 $0x6000;
	s11 =	simm.s32 $0x0  }
0x28: {  	[tilespmem:s31], [sflag:$0x1] =	stream.indirect.gather [hbm4b:s3+s14], $0x10, s15, s14, $0xb8;
	[tilespmem:$0xC800] =	vst v63  }
.LBB2_2:
0x29: {  	s0 =	sshllo.u32 s11, $0x1;
	p0 =	seq.s32 s11, $0x0  }
0x2a: {  	s1 =	simm.s32 @!p0 $0x4;
	s9 =	sadd.s32 s6, s0  }
0x2b: {  	_ =	swait.ge @!p0 [sflag:s1], $0x2000;
	s0 =	sshll.u32 s9, $0x6  }
0x2c: {  	[sflag:s1] =	ssyncset.done @!p0 $0x0;
	s0 =	sand.u32 $0x1FFFFFC0, s0  }
0x2d: {  	s15 =	simm.s32 $0x0;
	[sflag:s1] =	ssyncadd.s32 @!p0 $0xFFFFE000;
	s1 =	sadd.s32 s4, s0  }
0x2e: {  	[tilespmem:s29], [sflag:$0x5] =	stream.linear.gather [hbm4b:s1+s15], $0x200, $0x38;
	[tilespmem:$0xC800] =	vst v63  }
0x2f: {  	_ =	swait.ge [sflag:s12], $0x200  }
0x30: {  	[sflag:s12] =	ssyncset.done $0x0  }
0x31: {  	s0 =	sadd.s32 s5, s0;
	[sflag:s12] =	ssyncadd.s32 $0xFFFFFE00  }
0x32: {  	[tilespmem:s30], [sflag:$0x5] =	stream.linear.gather [hbm4b:s0+s15], $0x200, $0x38;
	[tilespmem:$0xC800] =	vst v63  }
0x33: {  	_ =	swait.ge [sflag:s12], $0x200  }
0x34: {  	[sflag:s12] =	ssyncset.done $0x0  }
0x35: {  	s1 =	simm.s32 $0x2800;
	[sflag:s12] =	ssyncadd.s32 $0xFFFFFE00  }
0x36: {  	[tilespmem:s1], [sflag:$0x2] =	stream.indirect.gather [hbm4b:s3+s14], $0x10, s29, s14, $0xb8;
	[tilespmem:$0xC800] =	vst v63  }
0x37: {  	s15 =	simm.s32 $0x6800  }
0x38: {  	[tilespmem:s15], [sflag:$0x2] =	stream.indirect.gather [hbm4b:s3+s14], $0x10, s30, s14, $0xb8;
	[tilespmem:$0xC800] =	vst v63  }
0x39: {  	s1 =	simm.s32 $0x280;
	s15 =	simm.s32 $0x3000  }
0x3a: {  	[tilespmem:s15], [sflag:$0x2] =	stream.indirect.gather [hbm4b:s3+s14], $0x10, s1, s14, $0xb8;
	[tilespmem:$0xC800] =	vst v63  }
0x3b: {  	_ = 	snop  }
0x3c: {  	[tilespmem:s17], [sflag:$0x2] =	stream.indirect.gather [hbm4b:s3+s14], $0x10, s16, s14, $0xb8;
	[tilespmem:$0xC800] =	vst v63  }
0x3d: {  	_ = 	snop  }
0x3e: {  	[tilespmem:s19], [sflag:$0x2] =	stream.indirect.gather [hbm4b:s3+s14], $0x10, s18, s14, $0xb8;
	[tilespmem:$0xC800] =	vst v63  }
0x3f: {  	_ = 	snop  }
0x40: {  	[tilespmem:s21], [sflag:$0x2] =	stream.indirect.gather [hbm4b:s3+s14], $0x10, s20, s14, $0xb8;
	[tilespmem:$0xC800] =	vst v63  }
0x41: {  	_ = 	snop  }
0x42: {  	[tilespmem:s23], [sflag:$0x2] =	stream.indirect.gather [hbm4b:s3+s14], $0x10, s22, s14, $0xb8;
	[tilespmem:$0xC800] =	vst v63  }
0x43: {  	_ = 	snop  }
0x44: {  	[tilespmem:s25], [sflag:$0x2] =	stream.indirect.gather [hbm4b:s3+s14], $0x10, s24, s14, $0xb8;
	[tilespmem:$0xC800] =	vst v63  }
0x45: {  	_ =	swait.ge [sflag:s26], $0x800  }
0x46: {  	[sflag:s26] =	ssyncset.done $0x0  }
0x47: {  	[sflag:s26] =	ssyncadd.s32 $0xFFFFF800  }
0x48: {  	_ =	swait.ge [sflag:s26], $0x800  }
0x49: {  	[sflag:s26] =	ssyncset.done $0x0  }
0x4a: {  	[sflag:s26] =	ssyncadd.s32 $0xFFFFF800  }
0x4b: {  	_ =	swait.ge [sflag:s26], $0x800  }
0x4c: {  	[sflag:s26] =	ssyncset.done $0x0  }
0x4d: {  	[sflag:s26] =	ssyncadd.s32 $0xFFFFF800  }
0x4e: {  	_ =	swait.ge [sflag:s26], $0x800  }
0x4f: {  	[sflag:s26] =	ssyncset.done $0x0  }
0x50: {  	[sflag:s26] =	ssyncadd.s32 $0xFFFFF800  }
0x51: {  	_ =	swait.ge [sflag:s26], $0x800  }
0x52: {  	[sflag:s26] =	ssyncset.done $0x0  }
0x53: {  	[sflag:s26] =	ssyncadd.s32 $0xFFFFF800  }
0x54: {  	_ =	swait.ge [sflag:s26], $0x800  }
0x55: {  	[sflag:s26] =	ssyncset.done $0x0  }
0x56: {  	[sflag:s26] =	ssyncadd.s32 $0xFFFFF800  }
0x57: {  	_ =	swait.ge [sflag:s26], $0x800  }
0x58: {  	[sflag:s26] =	ssyncset.done $0x0  }
0x59: {  	[sflag:s26] =	ssyncadd.s32 $0xFFFFF800  }
0x5a: {  	_ =	swait.ge [sflag:s26], $0x800  }
0x5b: {  	[sflag:s26] =	ssyncset.done $0x0  }
0x5c: {  	s1 =	simm.s32 $0x0;
	[sflag:s26] =	ssyncadd.s32 $0xFFFFF800  }
0x5d: {  	v2 =	vld [tilespmem:s1+$0x830]  }
0x5e: {  	v4 =	vld [tilespmem:s1+$0x4830]  }
0x5f: {  	v5 =	vld [tilespmem:s1+$0x800]  }
0x60: {  	v6 =	vld [tilespmem:s1+$0x4800]  }
0x61: {  	v1 =	vld [tilespmem:s1+$0x810]  }
0x62: {  	v3 =	vld [tilespmem:s1+$0x4810]  }
0x63: {  	v0 =	vld [tilespmem:s1+$0x820];
	v7 =	vmul.bf16 v4, v2  }
0x64: {  	s0 =	simm.s32 $0x40;
	v4 =	vld [tilespmem:s1+$0x4820]  }
0x65: {  	s31 =	sshll.u32 s11, $0x1;
	s15 =	simm.s32 $0x200;
	v2 =	vld [tilespmem:s0+$0x830];
	v5 =	vmul.bf16 v6, v5;
	[tilespmem:s1+$0x8830] =	vst v7  }
.LBB2_3:
0x66: {  	p0 =	sne.s32 s15, $0x7F00;
	v6 =	vld [tilespmem:s0+$0x4830]  }
0x67: {  	v7 =	vld [tilespmem:s0+$0x800];
	[tilespmem:s1+$0x8800] =	vst v5;
	v3 =	vmul.bf16 v3, v1  }
0x68: {  	v5 =	vld [tilespmem:s0+$0x4800]  }
.Ltmp0:
0x69: {  	v1 =	vld [tilespmem:s0+$0x810];
	[tilespmem:s1+$0x8810] =	vst v3;
	v4 =	vmul.bf16 v4, v0;
	(pc) =	sbr.rel @p0 .LBB2_3-.Ltmp0, $4  }
0x6a: {  	v3 =	vld [tilespmem:s0+$0x4810]  }
0x6b: {  	v0 =	vld [tilespmem:s0+$0x820];
	v6 =	vmul.bf16 v6, v2;
	[tilespmem:s1+$0x8820] =	vst v4;
	s1 =	smov.u32 s0  }
0x6c: {  	s0 =	sshra.s32 s15, $0x2;
	v4 =	vld [tilespmem:s1+$0x4820]  }
0x6d: {  	s15 =	sadd.s32 $0x100, s15;
	v2 =	vld [tilespmem:s0+$0x830];
	v5 =	vmul.bf16 v5, v7;
	[tilespmem:s1+$0x8830] =	vst v6  }
0x6e: {  	v6 =	vld [tilespmem:s0+$0x4830]  }
0x6f: {  	v7 =	vld [tilespmem:s0+$0x800];
	[tilespmem:s1+$0x8800] =	vst v5;
	v1 =	vmul.bf16 v3, v1  }
0x70: {  	v3 =	vld [tilespmem:s0+$0x4800]  }
0x71: {  	v5 =	vld [tilespmem:s0+$0x810];
	[tilespmem:s1+$0x8810] =	vst v1;
	v0 =	vmul.bf16 v4, v0  }
0x72: {  	v1 =	vld [tilespmem:s0+$0x4810]  }
0x73: {  	v4 =	vld [tilespmem:s0+$0x820];
	[tilespmem:s1+$0x8820] =	vst v0  }
0x74: {  	v0 =	vld [tilespmem:s0+$0x4820];
	_ =	sdelay $0x1  }
0x75: {  	v2 =	vmul.bf16 v6, v2  }
0x76: {  	v3 =	vmul.bf16 v3, v7  }
0x77: {  	[tilespmem:s0+$0x8830] =	vst v2;
	v1 =	vmul.bf16 v1, v5  }
0x78: {  	s15 =	sadd.s32 s6, s31;
	[tilespmem:s0+$0x8800] =	vst v3;
	v0 =	vmul.bf16 v0, v4  }
0x79: {  	p0 =	seq.s32 s11, $0x18;
	s1 =	sshll.u32 s15, $0xA;
	[tilespmem:s0+$0x8810] =	vst v1  }
0x7a: {  	s15 =	sadd.s32 s7, s1;
	s1 =	sadd.s32 @!p0 s31, s10;
	[tilespmem:s0+$0x8820] =	vst v0;
	s0 =	simm.s32 @!p0 $0x3  }
0x7b: {  	[hbm4b:s15+s2] =	stream.linear.scatter [tilespmem:s28], [sflag:$0x3], $0x2000, $0x38;
	[tilespmem:$0xC800] =	vst v63  }
0x7c: {  	s1 =	sshll.u32 @!p0 s1, $0x6;
	_ =	swait.ge @!p0 [sflag:s0], $0x2000  }
0x7d: {  	s1 =	sand.u32 @!p0 $0x1FFFFF80, s1;
	[sflag:s0] =	ssyncset.done @!p0 $0x0  }
0x7e: {  	s15 =	simm.s32 @!p0 $0x0;
	[sflag:s0] =	ssyncadd.s32 @!p0 $0xFFFFE000;
	s0 =	sadd.s32 @!p0 s4, s1  }
0x7f: {  	[tilespmem:s15], [sflag:$0x5] =	stream.linear.gather @!p0 [hbm4b:s0+s15], $0x200, $0x38;
	[tilespmem:$0xC800] =	vst v63  }
0x80: {  	s0 =	simm.s32 @!p0 $0x5  }
0x81: {  	_ =	swait.ge @!p0 [sflag:s0], $0x200  }
0x82: {  	[sflag:s0] =	ssyncset.done @!p0 $0x0  }
0x83: {  	s31 =	simm.s32 @!p0 $0x400;
	s1 =	sadd.s32 @!p0 s5, s1;
	[sflag:s0] =	ssyncadd.s32 @!p0 $0xFFFFFE00  }
0x84: {  	[tilespmem:s31], [sflag:$0x5] =	stream.linear.gather @!p0 [hbm4b:s1+s15], $0x200, $0x38;
	[tilespmem:$0xC800] =	vst v63  }
0x85: {  	_ =	swait.ge @!p0 [sflag:s0], $0x200  }
0x86: {  	[sflag:s0] =	ssyncset.done @!p0 $0x0  }
0x87: {  	s1 =	simm.s32 @!p0 $0x800;
	[sflag:s0] =	ssyncadd.s32 @!p0 $0xFFFFFE00;
	s0 =	simm.s32 @!p0 $0x80  }
0x88: {  	[tilespmem:s1], [sflag:$0x1] =	stream.indirect.gather @!p0 [hbm4b:s3+s0], $0x10, s15, s0, $0xb8;
	[tilespmem:$0xC800] =	vst v63  }
0x89: {  	s1 =	simm.s32 @!p0 $0x4800  }
0x8a: {  	[tilespmem:s1], [sflag:$0x1] =	stream.indirect.gather @!p0 [hbm4b:s3+s0], $0x10, s31, s0, $0xb8;
	[tilespmem:$0xC800] =	vst v63  }
0x8b: {  	s1 =	simm.s32 @!p0 $0x1000  }
0x8c: {  	[tilespmem:s1], [sflag:$0x1] =	stream.indirect.gather @!p0 [hbm4b:s3+s0], $0x10, s0, s0, $0xb8;
	[tilespmem:$0xC800] =	vst v63  }
0x8d: {  	s15 =	simm.s32 @!p0 $0x5000;
	s1 =	simm.s32 @!p0 $0x480  }
0x8e: {  	[tilespmem:s15], [sflag:$0x1] =	stream.indirect.gather @!p0 [hbm4b:s3+s0], $0x10, s1, s0, $0xb8;
	[tilespmem:$0xC800] =	vst v63  }
0x8f: {  	s1 =	simm.s32 @!p0 $0x100;
	s15 =	simm.s32 @!p0 $0x1800  }
0x90: {  	[tilespmem:s15], [sflag:$0x1] =	stream.indirect.gather @!p0 [hbm4b:s3+s0], $0x10, s1, s0, $0xb8;
	[tilespmem:$0xC800] =	vst v63  }
0x91: {  	s1 =	simm.s32 @!p0 $0x500;
	s15 =	simm.s32 @!p0 $0x5800  }
0x92: {  	[tilespmem:s15], [sflag:$0x1] =	stream.indirect.gather @!p0 [hbm4b:s3+s0], $0x10, s1, s0, $0xb8;
	[tilespmem:$0xC800] =	vst v63  }
0x93: {  	s1 =	simm.s32 @!p0 $0x180;
	s15 =	simm.s32 @!p0 $0x2000  }
0x94: {  	[tilespmem:s15], [sflag:$0x1] =	stream.indirect.gather @!p0 [hbm4b:s3+s0], $0x10, s1, s0, $0xb8;
	[tilespmem:$0xC800] =	vst v63  }
0x95: {  	s1 =	simm.s32 @!p0 $0x580;
	s15 =	simm.s32 @!p0 $0x6000  }
0x96: {  	[tilespmem:s15], [sflag:$0x1] =	stream.indirect.gather @!p0 [hbm4b:s3+s0], $0x10, s1, s0, $0xb8;
	[tilespmem:$0xC800] =	vst v63  }
0x97: {  	_ =	swait.ge [sflag:s13], $0x800  }
0x98: {  	[sflag:s13] =	ssyncset.done $0x0  }
0x99: {  	[sflag:s13] =	ssyncadd.s32 $0xFFFFF800  }
0x9a: {  	_ =	swait.ge [sflag:s13], $0x800  }
0x9b: {  	[sflag:s13] =	ssyncset.done $0x0  }
0x9c: {  	[sflag:s13] =	ssyncadd.s32 $0xFFFFF800  }
0x9d: {  	_ =	swait.ge [sflag:s13], $0x800  }
0x9e: {  	[sflag:s13] =	ssyncset.done $0x0  }
0x9f: {  	[sflag:s13] =	ssyncadd.s32 $0xFFFFF800  }
0xa0: {  	_ =	swait.ge [sflag:s13], $0x800  }
0xa1: {  	[sflag:s13] =	ssyncset.done $0x0  }
0xa2: {  	[sflag:s13] =	ssyncadd.s32 $0xFFFFF800  }
0xa3: {  	_ =	swait.ge [sflag:s13], $0x800  }
0xa4: {  	[sflag:s13] =	ssyncset.done $0x0  }
0xa5: {  	[sflag:s13] =	ssyncadd.s32 $0xFFFFF800  }
0xa6: {  	_ =	swait.ge [sflag:s13], $0x800  }
0xa7: {  	[sflag:s13] =	ssyncset.done $0x0  }
0xa8: {  	[sflag:s13] =	ssyncadd.s32 $0xFFFFF800  }
0xa9: {  	_ =	swait.ge [sflag:s13], $0x800  }
0xaa: {  	[sflag:s13] =	ssyncset.done $0x0  }
0xab: {  	[sflag:s13] =	ssyncadd.s32 $0xFFFFF800  }
0xac: {  	_ =	swait.ge [sflag:s13], $0x800  }
0xad: {  	[sflag:s13] =	ssyncset.done $0x0  }
0xae: {  	s1 =	simm.s32 $0x0;
	[sflag:s13] =	ssyncadd.s32 $0xFFFFF800  }
0xaf: {  	v2 =	vld [tilespmem:s1+$0x2830]  }
0xb0: {  	v4 =	vld [tilespmem:s1+$0x6830]  }
0xb1: {  	v5 =	vld [tilespmem:s1+$0x2800]  }
0xb2: {  	v6 =	vld [tilespmem:s1+$0x6800]  }
0xb3: {  	v1 =	vld [tilespmem:s1+$0x2810]  }
0xb4: {  	v3 =	vld [tilespmem:s1+$0x6810]  }
0xb5: {  	v0 =	vld [tilespmem:s1+$0x2820];
	v7 =	vmul.bf16 v4, v2  }
0xb6: {  	s0 =	simm.s32 $0x40;
	v4 =	vld [tilespmem:s1+$0x6820]  }
0xb7: {  	s15 =	simm.s32 $0x200;
	v2 =	vld [tilespmem:s0+$0x2830];
	v5 =	vmul.bf16 v6, v5;
	[tilespmem:s1+$0xA830] =	vst v7  }
.LBB2_5:
0xb8: {  	p0 =	sne.s32 s15, $0x7F00;
	v6 =	vld [tilespmem:s0+$0x6830]  }
0xb9: {  	v7 =	vld [tilespmem:s0+$0x2800];
	[tilespmem:s1+$0xA800] =	vst v5;
	v3 =	vmul.bf16 v3, v1  }
0xba: {  	v5 =	vld [tilespmem:s0+$0x6800]  }
.Ltmp1:
0xbb: {  	v1 =	vld [tilespmem:s0+$0x2810];
	[tilespmem:s1+$0xA810] =	vst v3;
	v4 =	vmul.bf16 v4, v0;
	(pc) =	sbr.rel @p0 .LBB2_5-.Ltmp1, $4  }
0xbc: {  	v3 =	vld [tilespmem:s0+$0x6810]  }
0xbd: {  	v0 =	vld [tilespmem:s0+$0x2820];
	v6 =	vmul.bf16 v6, v2;
	[tilespmem:s1+$0xA820] =	vst v4;
	s1 =	smov.u32 s0  }
0xbe: {  	s0 =	sshra.s32 s15, $0x2;
	v4 =	vld [tilespmem:s1+$0x6820]  }
0xbf: {  	s15 =	sadd.s32 $0x100, s15;
	v2 =	vld [tilespmem:s0+$0x2830];
	v5 =	vmul.bf16 v5, v7;
	[tilespmem:s1+$0xA830] =	vst v6  }
0xc0: {  	v6 =	vld [tilespmem:s0+$0x6830]  }
0xc1: {  	v7 =	vld [tilespmem:s0+$0x2800];
	[tilespmem:s1+$0xA800] =	vst v5;
	v1 =	vmul.bf16 v3, v1  }
0xc2: {  	v62 =	vld [tilespmem:s0+$0x6800]  }
0xc3: {  	v5 =	vld [tilespmem:s0+$0x2810];
	[tilespmem:s1+$0xA810] =	vst v1;
	v0 =	vmul.bf16 v4, v0  }
0xc4: {  	v1 =	vld [tilespmem:s0+$0x6810]  }
0xc5: {  	v63 =	vld [tilespmem:s0+$0x2820];
	[tilespmem:s1+$0xA820] =	vst v0  }
0xc6: {  	v0 =	vld [tilespmem:s0+$0x6820];
	_ =	sdelay $0x1  }
0xc7: {  	s11 =	sadd.s32 $0x1, s11;
	v2 =	vmul.bf16 v6, v2  }
0xc8: {  	p0 =	sne.s32 s11, $0x19;
	v3 =	vmul.bf16 v62, v7  }
.Ltmp2:
0xc9: {  	[tilespmem:s0+$0xA830] =	vst v2;
	v1 =	vmul.bf16 v1, v5;
	(pc) =	sbr.rel @p0 .LBB2_2-.Ltmp2, $4  }
0xca: {  	s15 =	sshll.u32 s9, $0xA;
	[tilespmem:s0+$0xA800] =	vst v3;
	v0 =	vmul.bf16 v0, v63  }
0xcb: {  	s1 =	sand.u32 $0xFFFFC00, s15;
	[tilespmem:s0+$0xA810] =	vst v1  }
0xcc: {  	s31 =	sadd.s32 s7, s1;
	[tilespmem:s0+$0xA820] =	vst v0  }
0xcd: {  	[hbm4b:s31+s2] =	stream.linear.scatter [tilespmem:s8], [sflag:$0x4], $0x2000, $0x38;
	[tilespmem:$0xC800] =	vst v63  }
0xce: {  	s0 =	simm.s32 $0x3  }
0xcf: {  	_ =	swait.ge [sflag:s0], $0x2000  }
0xd0: {  	[sflag:s0] =	ssyncset.done $0x0  }
0xd1: {  	s1 =	simm.s32 $0x4;
	[sflag:s0] =	ssyncadd.s32 $0xFFFFE000  }
0xd2: {  	_ =	swait.ge [sflag:s1], $0x2000  }
0xd3: {  	s9 =	rddreg [dreg:$0x5]  }
0xd4: {  	s31 =	rddreg [dreg:$0x4];
	s9 =	sadd.s32 $0x1, s9  }
0xd5: {  	p0 =	sne.s32 s9, s31  }
.Ltmp3:
0xd6: {  	_ = 	snop;
	(pc) =	sbr.rel @p0 .LBB2_1-.Ltmp3, $3  }
0xd7: {  	_ =	sdelay $0x1  }
0xd8: {  	[sflag:s1] =	ssyncset.done $0x0  }
0xd9: {  	[sflag:s1] =	ssyncadd.s32 $0xFFFFE000  }
0xda: {  	_ =	sfence.sel $0x180000  }
0xdb: {  	[bflag:$0x0] =	sbarrier.arrive $0xFFFF  }
0xdc: {  	_ =	strace $0x90000047  }
0xdd: {  	s0 =	stileid.u32;
	[bflag:$0x2] =	sbarrier.arrive $0xFFFF  }
0xde: {  	p0 =	sne.s32 s0, $0x0;
	s0 =	rddreg [dreg:$0x1]  }
0xdf: {  	s0 =	sadd.s32 @!p0 $0x100000, s0  }
0xe0: {  	[sflag:s0] =	ssyncadd.tile.s32 @!p0 $0x1;
	_ =	shalt  }
.Lfunc_end2:
_tile_overlayer_lowered:
.L_overlay_start_2:
0xe1: {  	(tag) =	ssettag $0x2  }
0xe2: {  	s0 =	rddreg [dreg:$0x0];
	s2 =	stileid.u32  }
0xe3: {  	s1 =	rddreg [dreg:$0x1];
	p0 =	sne.s32 s2, $0x0  }
0xe4: {  	s3 =	rddreg [dreg:$0x2];
	[bflag:$0x3] =	sbarrier.arrive $0xFFFF;
	s2 =	simm.s32 @!p0 $0x1C05  }
0xe5: {  	[timem:s3], [sflag:s2] =	dma.local @!p0 [hbm:s0], s1  }
0xe6: {  	s0 =	simm.s32 @!p0 $0x5  }
0xe7: {  	_ =	swait.ge @!p0 [sflag:s0], s1  }
0xe8: {  	s1 =	ssub.s32 @!p0 $0x0, s1;
	[sflag:s0] =	ssyncset.done @!p0 $0x0  }
0xe9: {  	[sflag:s0] =	ssyncadd.s32 @!p0 s1  }
0xea: {  	[bflag:$0x3] =	sbarrier.arrive $0xFFFF  }
0xeb: {  	_ =	shalt  }

</sc_bundles>
